<compile_context>
chip_gen: v7x
topology: tpu7x:2x2x1
jax: 0.10.2.dev20260603
libtpu: 0.0.44.dev20260713+nightly
codegen_flags: <defaults>
</compile_context>

<pallas_src>
import functools

import jax
import jax.numpy as jnp
from jax import lax
from jax.experimental import pallas as pl
from jax.experimental.pallas import tpu as pltpu
from jax.experimental.pallas import tpu_sc as plsc

NC = 2
NS = 16
NW = NC * NS
B = 4096
D = 64
L = 50
MARGIN = 1.0
RPW = B // NW
PPW = RPW // 2
KG = D // 16
NBUF = 2


def _tcf_body(uid_h, pid_h, nid_h, unbr_h, pnbr_h, nnbr_h, utab_h, itab_h,
              out_h,
              uidx_v, pidx_v, nidx_v, urows_v, prows_v, nrows_v,
              uni_v, pni_v, nni_v, ubag_v, pbag_v, nbag_v, out_v,
              ssem, bsem):
    wid = lax.axis_index("s") * NC + lax.axis_index("c")
    base = wid * RPW
    pbase = wid * PPW

    pltpu.sync_copy(uid_h.at[pl.ds(base, RPW)], uidx_v)
    pltpu.sync_copy(pid_h.at[pl.ds(base, RPW)], pidx_v)
    pltpu.sync_copy(nid_h.at[pl.ds(base, RPW)], nidx_v)
    cu = pltpu.async_copy(utab_h.at[uidx_v], urows_v, ssem)
    cp = pltpu.async_copy(itab_h.at[pidx_v], prows_v, ssem)
    cn = pltpu.async_copy(itab_h.at[nidx_v], nrows_v, ssem)
    pltpu.sync_copy(unbr_h.at[pl.ds(pbase, PPW)], uni_v)
    pltpu.sync_copy(pnbr_h.at[pl.ds(pbase, PPW)], pni_v)
    pltpu.sync_copy(nnbr_h.at[pl.ds(pbase, PPW)], nni_v)

    def start_pair(p):
        slot = lax.rem(p, NBUF)
        pltpu.async_copy(itab_h.at[uni_v.at[p]], ubag_v.at[slot],
                         bsem.at[slot])
        pltpu.async_copy(utab_h.at[pni_v.at[p]], pbag_v.at[slot],
                         bsem.at[slot])
        pltpu.async_copy(utab_h.at[nni_v.at[p]], nbag_v.at[slot],
                         bsem.at[slot])

    def wait_pair(p):
        slot = lax.rem(p, NBUF)
        pltpu.make_async_copy(itab_h.at[uni_v.at[p]], ubag_v.at[slot],
                              bsem.at[slot]).wait()
        pltpu.make_async_copy(utab_h.at[pni_v.at[p]], pbag_v.at[slot],
                              bsem.at[slot]).wait()
        pltpu.make_async_copy(utab_h.at[nni_v.at[p]], nbag_v.at[slot],
                              bsem.at[slot]).wait()

    for p in range(NBUF - 1):
        start_pair(p)
    cu.wait()
    cp.wait()
    cn.wait()

    inv_l = jnp.float32(1.0 / L)
    zero = jnp.zeros((16,), jnp.float32)

    def pair_body(p, acc):
        @pl.when(p + (NBUF - 1) < PPW)
        def _():
            start_pair(p + (NBUF - 1))

        wait_pair(p)
        slot = lax.rem(p, NBUF)
        for r in range(2):
            def red(j, c):
                outs = []
                for t, bag in enumerate((ubag_v, pbag_v, nbag_v)):
                    for k in range(KG):
                        outs.append(c[t * KG + k]
                                    + bag[slot, r * L + j, pl.ds(k * 16, 16)])
                return tuple(outs)

            sums = lax.fori_loop(0, L, red, (zero,) * (3 * KG))
            row = p * 2 + r
            new = []
            for k in range(KG):
                ub = sums[k] * inv_l
                pb = sums[KG + k] * inv_l
                nb = sums[2 * KG + k] * inv_l
                u = urows_v[row, pl.ds(k * 16, 16)]
                pe = prows_v[row, pl.ds(k * 16, 16)]
                ne = nrows_v[row, pl.ds(k * 16, 16)]
                tpos = u + ub * pb - pe
                tneg = u + ub * nb - ne
                v = MARGIN + tpos * tpos - tneg * tneg
                new.append(acc[k] + jnp.maximum(v, 0.0))
            acc = tuple(new)
        return acc

    acc = lax.fori_loop(0, PPW, pair_body, (zero,) * KG)
    out_v[0, :] = acc[0] + acc[1] + acc[2] + acc[3]
    pltpu.sync_copy(out_v, out_h.at[pl.ds(wid, 1)])


def kernel(user_ids, pos_ids, neg_ids, user_nbr_items, pos_item_nbr_users,
           neg_item_nbr_users, user_table, item_table):
    uid = user_ids.astype(jnp.int32)
    pid = pos_ids.astype(jnp.int32)
    nid = neg_ids.astype(jnp.int32)
    unbr = user_nbr_items.astype(jnp.int32).reshape(B // 2, 2 * L)
    pnbr = pos_item_nbr_users.astype(jnp.int32).reshape(B // 2, 2 * L)
    nnbr = neg_item_nbr_users.astype(jnp.int32).reshape(B // 2, 2 * L)

    mesh = plsc.VectorSubcoreMesh(core_axis_name="c", subcore_axis_name="s")
    run = pl.kernel(
        _tcf_body,
        mesh=mesh,
        compiler_params=pltpu.CompilerParams(use_tc_tiling_on_sc=False),
        out_type=jax.ShapeDtypeStruct((NW, 16), jnp.float32),
        scratch_types=[
            pltpu.VMEM((RPW,), jnp.int32),
            pltpu.VMEM((RPW,), jnp.int32),
            pltpu.VMEM((RPW,), jnp.int32),
            pltpu.VMEM((RPW, D), jnp.float32),
            pltpu.VMEM((RPW, D), jnp.float32),
            pltpu.VMEM((RPW, D), jnp.float32),
            pltpu.VMEM((PPW, 2 * L), jnp.int32),
            pltpu.VMEM((PPW, 2 * L), jnp.int32),
            pltpu.VMEM((PPW, 2 * L), jnp.int32),
            pltpu.VMEM((NBUF, 2 * L, D), jnp.float32),
            pltpu.VMEM((NBUF, 2 * L, D), jnp.float32),
            pltpu.VMEM((NBUF, 2 * L, D), jnp.float32),
            pltpu.VMEM((1, 16), jnp.float32),
            pltpu.SemaphoreType.DMA,
            pltpu.SemaphoreType.DMA((NBUF,)),
        ],
    )
    partials = run(uid, pid, nid, unbr, pnbr, nnbr, user_table, item_table)
    return jnp.sum(partials)

# --- scband reference (transcript-rebuilt; emitter-appended) ---
"""Pipeline reference for scband-trans-cf-44392781971860 (READ-ONLY COPY).

The authoritative reference and input builder live on the scoring server;
editing this copy changes nothing except your own understanding.
"""

import jax, jax.numpy as jnp
import numpy as np

NUM_USERS = 1_000_000
NUM_ITEMS = 1_000_000
DIM = 64
B = 4096
L = 50  # neighbor cache length (fixed-size bags so EmbeddingBag 'mean' == jnp.mean over axis 1)
MARGIN = 1.0


def setup_inputs(seed: int = 0) -> dict:
    key = jax.random.key(seed)
    ks = jax.random.split(key, 8)
    user_ids = jax.random.randint(ks[0], (B,), 0, NUM_USERS, dtype=jnp.int64 if jax.config.jax_enable_x64 else jnp.int32)
    pos_ids = jax.random.randint(ks[1], (B,), 0, NUM_ITEMS)
    neg_ids = jax.random.randint(ks[2], (B,), 0, NUM_ITEMS)
    # Neighbor caches (dataset.getuserCache / getitemCache), materialized per batch row.
    # user_nbr_items[b]      = items previously viewed by user_ids[b]
    # pos_item_nbr_users[b]  = users who viewed pos_ids[b]
    # neg_item_nbr_users[b]  = users who viewed neg_ids[b]
    user_nbr_items = jax.random.randint(ks[3], (B, L), 0, NUM_ITEMS)
    pos_item_nbr_users = jax.random.randint(ks[4], (B, L), 0, NUM_USERS)
    neg_item_nbr_users = jax.random.randint(ks[5], (B, L), 0, NUM_USERS)
    # Learned parameters: embedding tables (init_weights uses N(0, 0.01))
    user_table = jax.random.normal(ks[6], (NUM_USERS, DIM), dtype=jnp.float32) * 0.01
    item_table = jax.random.normal(ks[7], (NUM_ITEMS, DIM), dtype=jnp.float32) * 0.01
    return {
        "user_ids": user_ids,
        "pos_ids": pos_ids,
        "neg_ids": neg_ids,
        "user_nbr_items": user_nbr_items,
        "pos_item_nbr_users": pos_item_nbr_users,
        "neg_item_nbr_users": neg_item_nbr_users,
        "user_table": user_table,
        "item_table": item_table,
    }


def reference(user_ids, pos_ids, neg_ids, user_nbr_items, pos_item_nbr_users, neg_item_nbr_users, user_table, item_table):
    # EmbeddingBag with offsets=arange(B) -> plain per-row lookup
    batch_user_emb = jnp.take(user_table, user_ids, axis=0)            # [B, D]
    batch_pos_item_emb = jnp.take(item_table, pos_ids, axis=0)         # [B, D]
    # EmbeddingBag(mode='mean') over neighbor bags (fixed length L)
    pos_user_nbr_emb = jnp.mean(jnp.take(item_table, user_nbr_items, axis=0), axis=1)      # [B, D]
    pos_item_nbr_emb = jnp.mean(jnp.take(user_table, pos_item_nbr_users, axis=0), axis=1)  # [B, D]
    rel = pos_user_nbr_emb * pos_item_nbr_emb
    pos_distances = (batch_user_emb + rel - batch_pos_item_emb) ** 2   # [B, D]
    batch_neg_item_emb = jnp.take(item_table, neg_ids, axis=0)         # [B, D]
    # getNeighbors(user_ids, neg_ids): user-side neighbors identical to pos branch (same uids)
    neg_user_nbr_emb = jnp.mean(jnp.take(item_table, user_nbr_items, axis=0), axis=1)      # [B, D]
    neg_item_nbr_emb = jnp.mean(jnp.take(user_table, neg_item_nbr_users, axis=0), axis=1)  # [B, D]
    rel_n = neg_user_nbr_emb * neg_item_nbr_emb
    neg_distances = (batch_user_emb + rel_n - batch_neg_item_emb) ** 2  # [B, D]
    loss = jnp.sum(jax.nn.relu(MARGIN + pos_distances - neg_distances))
    # dis_reg = 0.0 and nei_reg = 0.0 -> no regularization terms
    return loss

if __name__ == "__main__":
    import jax
    _d = setup_inputs()
    print(jax.jit(kernel)(*tuple(_d.values())))

</pallas_src>

<mosaic_0001>
#map = affine_map<(d0, d1) -> (0)>
#map1 = affine_map<(d0, d1) -> (0, 0)>
module attributes {stable_mosaic.version = 14 : i64} {
  func.func @_tcf_body(%arg0: i32, %arg1: i32, %arg2: memref<4096xi32, #tpu.memory_space<hbm>>, %arg3: memref<4096xi32, #tpu.memory_space<hbm>>, %arg4: memref<4096xi32, #tpu.memory_space<hbm>>, %arg5: memref<2048x100xi32, #tpu.memory_space<hbm>>, %arg6: memref<2048x100xi32, #tpu.memory_space<hbm>>, %arg7: memref<2048x100xi32, #tpu.memory_space<hbm>>, %arg8: memref<1000000x64xf32, #tpu.memory_space<hbm>>, %arg9: memref<1000000x64xf32, #tpu.memory_space<hbm>>, %arg10: memref<32x16xf32, #tpu.memory_space<hbm>>, %arg11: memref<128xi32, #tpu.memory_space<vmem>>, %arg12: memref<128xi32, #tpu.memory_space<vmem>>, %arg13: memref<128xi32, #tpu.memory_space<vmem>>, %arg14: memref<128x64xf32, #tpu.memory_space<vmem>>, %arg15: memref<128x64xf32, #tpu.memory_space<vmem>>, %arg16: memref<128x64xf32, #tpu.memory_space<vmem>>, %arg17: memref<64x100xi32, #tpu.memory_space<vmem>>, %arg18: memref<64x100xi32, #tpu.memory_space<vmem>>, %arg19: memref<64x100xi32, #tpu.memory_space<vmem>>, %arg20: memref<2x100x64xf32, #tpu.memory_space<vmem>>, %arg21: memref<2x100x64xf32, #tpu.memory_space<vmem>>, %arg22: memref<2x100x64xf32, #tpu.memory_space<vmem>>, %arg23: memref<1x16xf32, #tpu.memory_space<vmem>>, %arg24: memref<!tpu.dma_semaphore, #tpu.memory_space<semaphore_mem>>, %arg25: memref<2x!tpu.dma_semaphore, #tpu.memory_space<semaphore_mem>>) attributes {dimension_semantics = [#tpu.dimension_semantics<core_parallel>, #tpu.dimension_semantics<subcore_parallel>], iteration_bounds = array<i64: 2, 16>, scalar_prefetch = 0 : i64, scratch_operands = 15 : i64, tpu.core_type = #tpu.core_type<sc_vector_subcore>, window_params = [{transform_indices = #map}, {transform_indices = #map}, {transform_indices = #map}, {transform_indices = #map1}, {transform_indices = #map1}, {transform_indices = #map1}, {transform_indices = #map1}, {transform_indices = #map1}, {transform_indices = #map1}]} {
    %mul3A = arith.constant 2 : i32
    %mul3A_0 = arith.muli %arg1, %mul3A : i32
    %add3A = arith.addi %mul3A_0, %arg0 : i32
    %mul3A_1 = arith.constant 128 : i32
    %mul3A_2 = arith.muli %add3A, %mul3A_1 : i32
    %mul3A_3 = arith.constant 64 : i32
    %mul3A_4 = arith.muli %add3A, %mul3A_3 : i32
    "tpu.region"() ({
      %run_scoped3A = tpu.sem_alloc : memref<!tpu.dma_semaphore, #tpu.memory_space<semaphore_mem>>
      %dma_start3A_77 = tpu.memref_slice %arg2[%mul3A_2] : memref<4096xi32, #tpu.memory_space<hbm>> -> memref<128xi32, #tpu.memory_space<hbm>>
      %dma_start3A_78 = tpu.memref_slice %arg2[%mul3A_2] : memref<4096xi32, #tpu.memory_space<hbm>> -> memref<128xi32, #tpu.memory_space<hbm>>
      tpu.enqueue_dma source(%dma_start3A_78 : memref<128xi32, #tpu.memory_space<hbm>>) target(%arg11 : memref<128xi32, #tpu.memory_space<vmem>>) target_semaphore(%run_scoped3A : memref<!tpu.dma_semaphore, #tpu.memory_space<semaphore_mem>>)
      %dma_wait3A_79 = tpu.memref_slice %arg2[%mul3A_2] : memref<4096xi32, #tpu.memory_space<hbm>> -> memref<128xi32, #tpu.memory_space<hbm>>
      %dma_wait3A_80 = tpu.memref_slice %arg2[%mul3A_2] : memref<4096xi32, #tpu.memory_space<hbm>> -> memref<128xi32, #tpu.memory_space<hbm>>
      tpu.wait_dma2 semaphore(%run_scoped3A : memref<!tpu.dma_semaphore, #tpu.memory_space<semaphore_mem>>) src(%dma_wait3A_80 : memref<128xi32, #tpu.memory_space<hbm>>) dst(%arg11 : memref<128xi32, #tpu.memory_space<vmem>>)
      tpu.yield
    }) : () -> ()
    "tpu.region"() ({
      %run_scoped3A = tpu.sem_alloc : memref<!tpu.dma_semaphore, #tpu.memory_space<semaphore_mem>>
      %dma_start3A_77 = tpu.memref_slice %arg3[%mul3A_2] : memref<4096xi32, #tpu.memory_space<hbm>> -> memref<128xi32, #tpu.memory_space<hbm>>
      %dma_start3A_78 = tpu.memref_slice %arg3[%mul3A_2] : memref<4096xi32, #tpu.memory_space<hbm>> -> memref<128xi32, #tpu.memory_space<hbm>>
      tpu.enqueue_dma source(%dma_start3A_78 : memref<128xi32, #tpu.memory_space<hbm>>) target(%arg12 : memref<128xi32, #tpu.memory_space<vmem>>) target_semaphore(%run_scoped3A : memref<!tpu.dma_semaphore, #tpu.memory_space<semaphore_mem>>)
      %dma_wait3A_79 = tpu.memref_slice %arg3[%mul3A_2] : memref<4096xi32, #tpu.memory_space<hbm>> -> memref<128xi32, #tpu.memory_space<hbm>>
      %dma_wait3A_80 = tpu.memref_slice %arg3[%mul3A_2] : memref<4096xi32, #tpu.memory_space<hbm>> -> memref<128xi32, #tpu.memory_space<hbm>>
      tpu.wait_dma2 semaphore(%run_scoped3A : memref<!tpu.dma_semaphore, #tpu.memory_space<semaphore_mem>>) src(%dma_wait3A_80 : memref<128xi32, #tpu.memory_space<hbm>>) dst(%arg12 : memref<128xi32, #tpu.memory_space<vmem>>)
      tpu.yield
    }) : () -> ()
    "tpu.region"() ({
      %run_scoped3A = tpu.sem_alloc : memref<!tpu.dma_semaphore, #tpu.memory_space<semaphore_mem>>
      %dma_start3A_77 = tpu.memref_slice %arg4[%mul3A_2] : memref<4096xi32, #tpu.memory_space<hbm>> -> memref<128xi32, #tpu.memory_space<hbm>>
      %dma_start3A_78 = tpu.memref_slice %arg4[%mul3A_2] : memref<4096xi32, #tpu.memory_space<hbm>> -> memref<128xi32, #tpu.memory_space<hbm>>
      tpu.enqueue_dma source(%dma_start3A_78 : memref<128xi32, #tpu.memory_space<hbm>>) target(%arg13 : memref<128xi32, #tpu.memory_space<vmem>>) target_semaphore(%run_scoped3A : memref<!tpu.dma_semaphore, #tpu.memory_space<semaphore_mem>>)
      %dma_wait3A_79 = tpu.memref_slice %arg4[%mul3A_2] : memref<4096xi32, #tpu.memory_space<hbm>> -> memref<128xi32, #tpu.memory_space<hbm>>
      %dma_wait3A_80 = tpu.memref_slice %arg4[%mul3A_2] : memref<4096xi32, #tpu.memory_space<hbm>> -> memref<128xi32, #tpu.memory_space<hbm>>
      tpu.wait_dma2 semaphore(%run_scoped3A : memref<!tpu.dma_semaphore, #tpu.memory_space<semaphore_mem>>) src(%dma_wait3A_80 : memref<128xi32, #tpu.memory_space<hbm>>) dst(%arg13 : memref<128xi32, #tpu.memory_space<vmem>>)
      tpu.yield
    }) : () -> ()
    %dma_start3A = arith.constant 0 : i32
    %dma_start3A_5 = arith.constant 0 : i32
    %dma_start3A_6 = tpu.memref_slice %arg8[%dma_start3A, %dma_start3A_5] : memref<1000000x64xf32, #tpu.memory_space<hbm>> -> memref<1000000x64xf32, #tpu.memory_space<hbm>>
    tpu.enqueue_indirect_dma source(%dma_start3A_6 : memref<1000000x64xf32, #tpu.memory_space<hbm>>) target(%arg14 : memref<128x64xf32, #tpu.memory_space<vmem>>) offsets(%arg11 : memref<128xi32, #tpu.memory_space<vmem>>) semaphore(%arg24 : memref<!tpu.dma_semaphore, #tpu.memory_space<semaphore_mem>>)
    %dma_start3A_7 = arith.constant 0 : i32
    %dma_start3A_8 = arith.constant 0 : i32
    %dma_start3A_9 = tpu.memref_slice %arg9[%dma_start3A_7, %dma_start3A_8] : memref<1000000x64xf32, #tpu.memory_space<hbm>> -> memref<1000000x64xf32, #tpu.memory_space<hbm>>
    tpu.enqueue_indirect_dma source(%dma_start3A_9 : memref<1000000x64xf32, #tpu.memory_space<hbm>>) target(%arg15 : memref<128x64xf32, #tpu.memory_space<vmem>>) offsets(%arg12 : memref<128xi32, #tpu.memory_space<vmem>>) semaphore(%arg24 : memref<!tpu.dma_semaphore, #tpu.memory_space<semaphore_mem>>)
    %dma_start3A_10 = arith.constant 0 : i32
    %dma_start3A_11 = arith.constant 0 : i32
    %dma_start3A_12 = tpu.memref_slice %arg9[%dma_start3A_10, %dma_start3A_11] : memref<1000000x64xf32, #tpu.memory_space<hbm>> -> memref<1000000x64xf32, #tpu.memory_space<hbm>>
    tpu.enqueue_indirect_dma source(%dma_start3A_12 : memref<1000000x64xf32, #tpu.memory_space<hbm>>) target(%arg16 : memref<128x64xf32, #tpu.memory_space<vmem>>) offsets(%arg13 : memref<128xi32, #tpu.memory_space<vmem>>) semaphore(%arg24 : memref<!tpu.dma_semaphore, #tpu.memory_space<semaphore_mem>>)
    "tpu.region"() ({
      %run_scoped3A = tpu.sem_alloc : memref<!tpu.dma_semaphore, #tpu.memory_space<semaphore_mem>>
      %dma_start3A_77 = arith.constant 0 : i32
      %dma_start3A_78 = tpu.memref_slice %arg5[%mul3A_4, %dma_start3A_77] : memref<2048x100xi32, #tpu.memory_space<hbm>> -> memref<64x100xi32, #tpu.memory_space<hbm>>
      %dma_start3A_79 = arith.constant 0 : i32
      %dma_start3A_80 = tpu.memref_slice %arg5[%mul3A_4, %dma_start3A_79] : memref<2048x100xi32, #tpu.memory_space<hbm>> -> memref<64x100xi32, #tpu.memory_space<hbm>>
      tpu.enqueue_dma source(%dma_start3A_80 : memref<64x100xi32, #tpu.memory_space<hbm>>) target(%arg17 : memref<64x100xi32, #tpu.memory_space<vmem>>) target_semaphore(%run_scoped3A : memref<!tpu.dma_semaphore, #tpu.memory_space<semaphore_mem>>)
      %dma_wait3A_81 = arith.constant 0 : i32
      %dma_wait3A_82 = tpu.memref_slice %arg5[%mul3A_4, %dma_wait3A_81] : memref<2048x100xi32, #tpu.memory_space<hbm>> -> memref<64x100xi32, #tpu.memory_space<hbm>>
      %dma_wait3A_83 = arith.constant 0 : i32
      %dma_wait3A_84 = tpu.memref_slice %arg5[%mul3A_4, %dma_wait3A_83] : memref<2048x100xi32, #tpu.memory_space<hbm>> -> memref<64x100xi32, #tpu.memory_space<hbm>>
      tpu.wait_dma2 semaphore(%run_scoped3A : memref<!tpu.dma_semaphore, #tpu.memory_space<semaphore_mem>>) src(%dma_wait3A_84 : memref<64x100xi32, #tpu.memory_space<hbm>>) dst(%arg17 : memref<64x100xi32, #tpu.memory_space<vmem>>)
      tpu.yield
    }) : () -> ()
    "tpu.region"() ({
      %run_scoped3A = tpu.sem_alloc : memref<!tpu.dma_semaphore, #tpu.memory_space<semaphore_mem>>
      %dma_start3A_77 = arith.constant 0 : i32
      %dma_start3A_78 = tpu.memref_slice %arg6[%mul3A_4, %dma_start3A_77] : memref<2048x100xi32, #tpu.memory_space<hbm>> -> memref<64x100xi32, #tpu.memory_space<hbm>>
      %dma_start3A_79 = arith.constant 0 : i32
      %dma_start3A_80 = tpu.memref_slice %arg6[%mul3A_4, %dma_start3A_79] : memref<2048x100xi32, #tpu.memory_space<hbm>> -> memref<64x100xi32, #tpu.memory_space<hbm>>
      tpu.enqueue_dma source(%dma_start3A_80 : memref<64x100xi32, #tpu.memory_space<hbm>>) target(%arg18 : memref<64x100xi32, #tpu.memory_space<vmem>>) target_semaphore(%run_scoped3A : memref<!tpu.dma_semaphore, #tpu.memory_space<semaphore_mem>>)
      %dma_wait3A_81 = arith.constant 0 : i32
      %dma_wait3A_82 = tpu.memref_slice %arg6[%mul3A_4, %dma_wait3A_81] : memref<2048x100xi32, #tpu.memory_space<hbm>> -> memref<64x100xi32, #tpu.memory_space<hbm>>
      %dma_wait3A_83 = arith.constant 0 : i32
      %dma_wait3A_84 = tpu.memref_slice %arg6[%mul3A_4, %dma_wait3A_83] : memref<2048x100xi32, #tpu.memory_space<hbm>> -> memref<64x100xi32, #tpu.memory_space<hbm>>
      tpu.wait_dma2 semaphore(%run_scoped3A : memref<!tpu.dma_semaphore, #tpu.memory_space<semaphore_mem>>) src(%dma_wait3A_84 : memref<64x100xi32, #tpu.memory_space<hbm>>) dst(%arg18 : memref<64x100xi32, #tpu.memory_space<vmem>>)
      tpu.yield
    }) : () -> ()
    "tpu.region"() ({
      %run_scoped3A = tpu.sem_alloc : memref<!tpu.dma_semaphore, #tpu.memory_space<semaphore_mem>>
      %dma_start3A_77 = arith.constant 0 : i32
      %dma_start3A_78 = tpu.memref_slice %arg7[%mul3A_4, %dma_start3A_77] : memref<2048x100xi32, #tpu.memory_space<hbm>> -> memref<64x100xi32, #tpu.memory_space<hbm>>
      %dma_start3A_79 = arith.constant 0 : i32
      %dma_start3A_80 = tpu.memref_slice %arg7[%mul3A_4, %dma_start3A_79] : memref<2048x100xi32, #tpu.memory_space<hbm>> -> memref<64x100xi32, #tpu.memory_space<hbm>>
      tpu.enqueue_dma source(%dma_start3A_80 : memref<64x100xi32, #tpu.memory_space<hbm>>) target(%arg19 : memref<64x100xi32, #tpu.memory_space<vmem>>) target_semaphore(%run_scoped3A : memref<!tpu.dma_semaphore, #tpu.memory_space<semaphore_mem>>)
      %dma_wait3A_81 = arith.constant 0 : i32
      %dma_wait3A_82 = tpu.memref_slice %arg7[%mul3A_4, %dma_wait3A_81] : memref<2048x100xi32, #tpu.memory_space<hbm>> -> memref<64x100xi32, #tpu.memory_space<hbm>>
      %dma_wait3A_83 = arith.constant 0 : i32
      %dma_wait3A_84 = tpu.memref_slice %arg7[%mul3A_4, %dma_wait3A_83] : memref<2048x100xi32, #tpu.memory_space<hbm>> -> memref<64x100xi32, #tpu.memory_space<hbm>>
      tpu.wait_dma2 semaphore(%run_scoped3A : memref<!tpu.dma_semaphore, #tpu.memory_space<semaphore_mem>>) src(%dma_wait3A_84 : memref<64x100xi32, #tpu.memory_space<hbm>>) dst(%arg19 : memref<64x100xi32, #tpu.memory_space<vmem>>)
      tpu.yield
    }) : () -> ()
    %rem3A = arith.constant 0 : i32
    %rem3A_13 = arith.constant 2 : i32
    %rem3A_14 = arith.remsi %rem3A, %rem3A_13 : i32
    %dma_start3A_15 = arith.constant 0 : i32
    %dma_start3A_16 = arith.constant 0 : i32
    %dma_start3A_17 = arith.constant 0 : i32
    %dma_start3A_18 = tpu.memref_slice %arg20[%rem3A_14, %dma_start3A_16, %dma_start3A_17] : memref<2x100x64xf32, #tpu.memory_space<vmem>> -> memref<1x100x64xf32, #tpu.memory_space<vmem>>
    %dma_start3A_19 = tpu.memref_squeeze %dma_start3A_18 : memref<1x100x64xf32, #tpu.memory_space<vmem>> -> memref<100x64xf32, #tpu.memory_space<vmem>>
    %dma_start3A_20 = arith.constant 0 : i32
    %dma_start3A_21 = tpu.memref_slice %arg17[%dma_start3A_15, %dma_start3A_20] : memref<64x100xi32, #tpu.memory_space<vmem>> -> memref<1x100xi32, #tpu.memory_space<vmem>>
    %dma_start3A_22 = tpu.memref_squeeze %dma_start3A_21 : memref<1x100xi32, #tpu.memory_space<vmem>> -> memref<100xi32, #tpu.memory_space<vmem>>
    %dma_start3A_23 = arith.constant 0 : i32
    %dma_start3A_24 = arith.constant 0 : i32
    %dma_start3A_25 = tpu.memref_slice %arg9[%dma_start3A_23, %dma_start3A_24] : memref<1000000x64xf32, #tpu.memory_space<hbm>> -> memref<1000000x64xf32, #tpu.memory_space<hbm>>
    %dma_start3A_26 = tpu.memref_slice %arg25[%rem3A_14] : memref<2x!tpu.dma_semaphore, #tpu.memory_space<semaphore_mem>> -> memref<1x!tpu.dma_semaphore, #tpu.memory_space<semaphore_mem>>
    %dma_start3A_27 = tpu.memref_squeeze %dma_start3A_26 : memref<1x!tpu.dma_semaphore, #tpu.memory_space<semaphore_mem>> -> memref<!tpu.dma_semaphore, #tpu.memory_space<semaphore_mem>>
    tpu.enqueue_indirect_dma source(%dma_start3A_25 : memref<1000000x64xf32, #tpu.memory_space<hbm>>) target(%dma_start3A_19 : memref<100x64xf32, #tpu.memory_space<vmem>>) offsets(%dma_start3A_22 : memref<100xi32, #tpu.memory_space<vmem>>) semaphore(%dma_start3A_27 : memref<!tpu.dma_semaphore, #tpu.memory_space<semaphore_mem>>)
    %dma_start3A_28 = arith.constant 0 : i32
    %dma_start3A_29 = arith.constant 0 : i32
    %dma_start3A_30 = arith.constant 0 : i32
    %dma_start3A_31 = tpu.memref_slice %arg21[%rem3A_14, %dma_start3A_29, %dma_start3A_30] : memref<2x100x64xf32, #tpu.memory_space<vmem>> -> memref<1x100x64xf32, #tpu.memory_space<vmem>>
    %dma_start3A_32 = tpu.memref_squeeze %dma_start3A_31 : memref<1x100x64xf32, #tpu.memory_space<vmem>> -> memref<100x64xf32, #tpu.memory_space<vmem>>
    %dma_start3A_33 = arith.constant 0 : i32
    %dma_start3A_34 = tpu.memref_slice %arg18[%dma_start3A_28, %dma_start3A_33] : memref<64x100xi32, #tpu.memory_space<vmem>> -> memref<1x100xi32, #tpu.memory_space<vmem>>
    %dma_start3A_35 = tpu.memref_squeeze %dma_start3A_34 : memref<1x100xi32, #tpu.memory_space<vmem>> -> memref<100xi32, #tpu.memory_space<vmem>>
    %dma_start3A_36 = arith.constant 0 : i32
    %dma_start3A_37 = arith.constant 0 : i32
    %dma_start3A_38 = tpu.memref_slice %arg8[%dma_start3A_36, %dma_start3A_37] : memref<1000000x64xf32, #tpu.memory_space<hbm>> -> memref<1000000x64xf32, #tpu.memory_space<hbm>>
    %dma_start3A_39 = tpu.memref_slice %arg25[%rem3A_14] : memref<2x!tpu.dma_semaphore, #tpu.memory_space<semaphore_mem>> -> memref<1x!tpu.dma_semaphore, #tpu.memory_space<semaphore_mem>>
    %dma_start3A_40 = tpu.memref_squeeze %dma_start3A_39 : memref<1x!tpu.dma_semaphore, #tpu.memory_space<semaphore_mem>> -> memref<!tpu.dma_semaphore, #tpu.memory_space<semaphore_mem>>
    tpu.enqueue_indirect_dma source(%dma_start3A_38 : memref<1000000x64xf32, #tpu.memory_space<hbm>>) target(%dma_start3A_32 : memref<100x64xf32, #tpu.memory_space<vmem>>) offsets(%dma_start3A_35 : memref<100xi32, #tpu.memory_space<vmem>>) semaphore(%dma_start3A_40 : memref<!tpu.dma_semaphore, #tpu.memory_space<semaphore_mem>>)
    %dma_start3A_41 = arith.constant 0 : i32
    %dma_start3A_42 = arith.constant 0 : i32
    %dma_start3A_43 = arith.constant 0 : i32
    %dma_start3A_44 = tpu.memref_slice %arg22[%rem3A_14, %dma_start3A_42, %dma_start3A_43] : memref<2x100x64xf32, #tpu.memory_space<vmem>> -> memref<1x100x64xf32, #tpu.memory_space<vmem>>
    %dma_start3A_45 = tpu.memref_squeeze %dma_start3A_44 : memref<1x100x64xf32, #tpu.memory_space<vmem>> -> memref<100x64xf32, #tpu.memory_space<vmem>>
    %dma_start3A_46 = arith.constant 0 : i32
    %dma_start3A_47 = tpu.memref_slice %arg19[%dma_start3A_41, %dma_start3A_46] : memref<64x100xi32, #tpu.memory_space<vmem>> -> memref<1x100xi32, #tpu.memory_space<vmem>>
    %dma_start3A_48 = tpu.memref_squeeze %dma_start3A_47 : memref<1x100xi32, #tpu.memory_space<vmem>> -> memref<100xi32, #tpu.memory_space<vmem>>
    %dma_start3A_49 = arith.constant 0 : i32
    %dma_start3A_50 = arith.constant 0 : i32
    %dma_start3A_51 = tpu.memref_slice %arg8[%dma_start3A_49, %dma_start3A_50] : memref<1000000x64xf32, #tpu.memory_space<hbm>> -> memref<1000000x64xf32, #tpu.memory_space<hbm>>
    %dma_start3A_52 = tpu.memref_slice %arg25[%rem3A_14] : memref<2x!tpu.dma_semaphore, #tpu.memory_space<semaphore_mem>> -> memref<1x!tpu.dma_semaphore, #tpu.memory_space<semaphore_mem>>
    %dma_start3A_53 = tpu.memref_squeeze %dma_start3A_52 : memref<1x!tpu.dma_semaphore, #tpu.memory_space<semaphore_mem>> -> memref<!tpu.dma_semaphore, #tpu.memory_space<semaphore_mem>>
    tpu.enqueue_indirect_dma source(%dma_start3A_51 : memref<1000000x64xf32, #tpu.memory_space<hbm>>) target(%dma_start3A_45 : memref<100x64xf32, #tpu.memory_space<vmem>>) offsets(%dma_start3A_48 : memref<100xi32, #tpu.memory_space<vmem>>) semaphore(%dma_start3A_53 : memref<!tpu.dma_semaphore, #tpu.memory_space<semaphore_mem>>)
    %dma_wait3A = arith.constant 0 : i32
    %dma_wait3A_54 = arith.constant 0 : i32
    %dma_wait3A_55 = tpu.memref_slice %arg8[%dma_wait3A, %dma_wait3A_54] : memref<1000000x64xf32, #tpu.memory_space<hbm>> -> memref<1000000x64xf32, #tpu.memory_space<hbm>>
    tpu.wait_indirect_dma semaphore(%arg24 : memref<!tpu.dma_semaphore, #tpu.memory_space<semaphore_mem>>) src(%dma_wait3A_55 : memref<1000000x64xf32, #tpu.memory_space<hbm>>) dst(%arg14 : memref<128x64xf32, #tpu.memory_space<vmem>>)
    %dma_wait3A_56 = arith.constant 0 : i32
    %dma_wait3A_57 = arith.constant 0 : i32
    %dma_wait3A_58 = tpu.memref_slice %arg9[%dma_wait3A_56, %dma_wait3A_57] : memref<1000000x64xf32, #tpu.memory_space<hbm>> -> memref<1000000x64xf32, #tpu.memory_space<hbm>>
    tpu.wait_indirect_dma semaphore(%arg24 : memref<!tpu.dma_semaphore, #tpu.memory_space<semaphore_mem>>) src(%dma_wait3A_58 : memref<1000000x64xf32, #tpu.memory_space<hbm>>) dst(%arg15 : memref<128x64xf32, #tpu.memory_space<vmem>>)
    %dma_wait3A_59 = arith.constant 0 : i32
    %dma_wait3A_60 = arith.constant 0 : i32
    %dma_wait3A_61 = tpu.memref_slice %arg9[%dma_wait3A_59, %dma_wait3A_60] : memref<1000000x64xf32, #tpu.memory_space<hbm>> -> memref<1000000x64xf32, #tpu.memory_space<hbm>>
    tpu.wait_indirect_dma semaphore(%arg24 : memref<!tpu.dma_semaphore, #tpu.memory_space<semaphore_mem>>) src(%dma_wait3A_61 : memref<1000000x64xf32, #tpu.memory_space<hbm>>) dst(%arg16 : memref<128x64xf32, #tpu.memory_space<vmem>>)
    %broadcast_in_dim3A = arith.constant 0.000000e+00 : f32
    %broadcast_in_dim3A_62 = vector.broadcast %broadcast_in_dim3A : f32 to vector<16xf32>
    %scan3A = arith.constant 2.000000e-02 : f32
    %scan3A_63 = arith.constant 0 : i32
    %scan3A_64 = arith.constant 64 : i32
    %scan3A_65 = arith.addi %scan3A_63, %scan3A_64 : i32
    %scan3A_66 = arith.constant 1 : i32
    %scan3A_67:4 = scf.for %scan3A_77 = %scan3A_63 to %scan3A_65 step %scan3A_66 iter_args(%scan3A_78 = %broadcast_in_dim3A_62, %scan3A_79 = %broadcast_in_dim3A_62, %scan3A_80 = %broadcast_in_dim3A_62, %scan3A_81 = %broadcast_in_dim3A_62) -> (vector<16xf32>, vector<16xf32>, vector<16xf32>, vector<16xf32>)  : i32 {
      %add3A_82 = arith.constant 1 : i32
      %add3A_83 = arith.addi %scan3A_77, %add3A_82 : i32
      %lt3A = arith.constant 64 : i32
      %lt3A_84 = arith.cmpi slt, %add3A_83, %lt3A : i32
      %convert_element_type3A = arith.extui %lt3A_84 : i1 to i32
      %cond3A = arith.constant 0 : i32
      %cond3A_85 = arith.cmpi ne, %convert_element_type3A, %cond3A : i32
      scf.if %cond3A_85 {
        %add3A_415 = arith.constant 1 : i32
        %add3A_416 = arith.addi %scan3A_77, %add3A_415 : i32
        %rem3A_417 = arith.constant 2 : i32
        %rem3A_418 = arith.remsi %add3A_416, %rem3A_417 : i32
        %dma_start3A_419 = arith.constant 0 : i32
        %dma_start3A_420 = arith.constant 0 : i32
        %dma_start3A_421 = tpu.memref_slice %arg20[%rem3A_418, %dma_start3A_419, %dma_start3A_420] : memref<2x100x64xf32, #tpu.memory_space<vmem>> -> memref<1x100x64xf32, #tpu.memory_space<vmem>>
        %dma_start3A_422 = tpu.memref_squeeze %dma_start3A_421 : memref<1x100x64xf32, #tpu.memory_space<vmem>> -> memref<100x64xf32, #tpu.memory_space<vmem>>
        %dma_start3A_423 = arith.constant 0 : i32
        %dma_start3A_424 = tpu.memref_slice %arg17[%add3A_416, %dma_start3A_423] : memref<64x100xi32, #tpu.memory_space<vmem>> -> memref<1x100xi32, #tpu.memory_space<vmem>>
        %dma_start3A_425 = tpu.memref_squeeze %dma_start3A_424 : memref<1x100xi32, #tpu.memory_space<vmem>> -> memref<100xi32, #tpu.memory_space<vmem>>
        %dma_start3A_426 = arith.constant 0 : i32
        %dma_start3A_427 = arith.constant 0 : i32
        %dma_start3A_428 = tpu.memref_slice %arg9[%dma_start3A_426, %dma_start3A_427] : memref<1000000x64xf32, #tpu.memory_space<hbm>> -> memref<1000000x64xf32, #tpu.memory_space<hbm>>
        %dma_start3A_429 = tpu.memref_slice %arg25[%rem3A_418] : memref<2x!tpu.dma_semaphore, #tpu.memory_space<semaphore_mem>> -> memref<1x!tpu.dma_semaphore, #tpu.memory_space<semaphore_mem>>
        %dma_start3A_430 = tpu.memref_squeeze %dma_start3A_429 : memref<1x!tpu.dma_semaphore, #tpu.memory_space<semaphore_mem>> -> memref<!tpu.dma_semaphore, #tpu.memory_space<semaphore_mem>>
        tpu.enqueue_indirect_dma source(%dma_start3A_428 : memref<1000000x64xf32, #tpu.memory_space<hbm>>) target(%dma_start3A_422 : memref<100x64xf32, #tpu.memory_space<vmem>>) offsets(%dma_start3A_425 : memref<100xi32, #tpu.memory_space<vmem>>) semaphore(%dma_start3A_430 : memref<!tpu.dma_semaphore, #tpu.memory_space<semaphore_mem>>)
        %dma_start3A_431 = arith.constant 0 : i32
        %dma_start3A_432 = arith.constant 0 : i32
        %dma_start3A_433 = tpu.memref_slice %arg21[%rem3A_418, %dma_start3A_431, %dma_start3A_432] : memref<2x100x64xf32, #tpu.memory_space<vmem>> -> memref<1x100x64xf32, #tpu.memory_space<vmem>>
        %dma_start3A_434 = tpu.memref_squeeze %dma_start3A_433 : memref<1x100x64xf32, #tpu.memory_space<vmem>> -> memref<100x64xf32, #tpu.memory_space<vmem>>
        %dma_start3A_435 = arith.constant 0 : i32
        %dma_start3A_436 = tpu.memref_slice %arg18[%add3A_416, %dma_start3A_435] : memref<64x100xi32, #tpu.memory_space<vmem>> -> memref<1x100xi32, #tpu.memory_space<vmem>>
        %dma_start3A_437 = tpu.memref_squeeze %dma_start3A_436 : memref<1x100xi32, #tpu.memory_space<vmem>> -> memref<100xi32, #tpu.memory_space<vmem>>
        %dma_start3A_438 = arith.constant 0 : i32
        %dma_start3A_439 = arith.constant 0 : i32
        %dma_start3A_440 = tpu.memref_slice %arg8[%dma_start3A_438, %dma_start3A_439] : memref<1000000x64xf32, #tpu.memory_space<hbm>> -> memref<1000000x64xf32, #tpu.memory_space<hbm>>
        %dma_start3A_441 = tpu.memref_slice %arg25[%rem3A_418] : memref<2x!tpu.dma_semaphore, #tpu.memory_space<semaphore_mem>> -> memref<1x!tpu.dma_semaphore, #tpu.memory_space<semaphore_mem>>
        %dma_start3A_442 = tpu.memref_squeeze %dma_start3A_441 : memref<1x!tpu.dma_semaphore, #tpu.memory_space<semaphore_mem>> -> memref<!tpu.dma_semaphore, #tpu.memory_space<semaphore_mem>>
        tpu.enqueue_indirect_dma source(%dma_start3A_440 : memref<1000000x64xf32, #tpu.memory_space<hbm>>) target(%dma_start3A_434 : memref<100x64xf32, #tpu.memory_space<vmem>>) offsets(%dma_start3A_437 : memref<100xi32, #tpu.memory_space<vmem>>) semaphore(%dma_start3A_442 : memref<!tpu.dma_semaphore, #tpu.memory_space<semaphore_mem>>)
        %dma_start3A_443 = arith.constant 0 : i32
        %dma_start3A_444 = arith.constant 0 : i32
        %dma_start3A_445 = tpu.memref_slice %arg22[%rem3A_418, %dma_start3A_443, %dma_start3A_444] : memref<2x100x64xf32, #tpu.memory_space<vmem>> -> memref<1x100x64xf32, #tpu.memory_space<vmem>>
        %dma_start3A_446 = tpu.memref_squeeze %dma_start3A_445 : memref<1x100x64xf32, #tpu.memory_space<vmem>> -> memref<100x64xf32, #tpu.memory_space<vmem>>
        %dma_start3A_447 = arith.constant 0 : i32
        %dma_start3A_448 = tpu.memref_slice %arg19[%add3A_416, %dma_start3A_447] : memref<64x100xi32, #tpu.memory_space<vmem>> -> memref<1x100xi32, #tpu.memory_space<vmem>>
        %dma_start3A_449 = tpu.memref_squeeze %dma_start3A_448 : memref<1x100xi32, #tpu.memory_space<vmem>> -> memref<100xi32, #tpu.memory_space<vmem>>
        %dma_start3A_450 = arith.constant 0 : i32
        %dma_start3A_451 = arith.constant 0 : i32
        %dma_start3A_452 = tpu.memref_slice %arg8[%dma_start3A_450, %dma_start3A_451] : memref<1000000x64xf32, #tpu.memory_space<hbm>> -> memref<1000000x64xf32, #tpu.memory_space<hbm>>
        %dma_start3A_453 = tpu.memref_slice %arg25[%rem3A_418] : memref<2x!tpu.dma_semaphore, #tpu.memory_space<semaphore_mem>> -> memref<1x!tpu.dma_semaphore, #tpu.memory_space<semaphore_mem>>
        %dma_start3A_454 = tpu.memref_squeeze %dma_start3A_453 : memref<1x!tpu.dma_semaphore, #tpu.memory_space<semaphore_mem>> -> memref<!tpu.dma_semaphore, #tpu.memory_space<semaphore_mem>>
        tpu.enqueue_indirect_dma source(%dma_start3A_452 : memref<1000000x64xf32, #tpu.memory_space<hbm>>) target(%dma_start3A_446 : memref<100x64xf32, #tpu.memory_space<vmem>>) offsets(%dma_start3A_449 : memref<100xi32, #tpu.memory_space<vmem>>) semaphore(%dma_start3A_454 : memref<!tpu.dma_semaphore, #tpu.memory_space<semaphore_mem>>)
      } else {
      }
      %rem3A_86 = arith.constant 2 : i32
      %rem3A_87 = arith.remsi %scan3A_77, %rem3A_86 : i32
      %dma_wait3A_88 = arith.constant 0 : i32
      %dma_wait3A_89 = arith.constant 0 : i32
      %dma_wait3A_90 = tpu.memref_slice %arg20[%rem3A_87, %dma_wait3A_88, %dma_wait3A_89] : memref<2x100x64xf32, #tpu.memory_space<vmem>> -> memref<1x100x64xf32, #tpu.memory_space<vmem>>
      %dma_wait3A_91 = tpu.memref_squeeze %dma_wait3A_90 : memref<1x100x64xf32, #tpu.memory_space<vmem>> -> memref<100x64xf32, #tpu.memory_space<vmem>>
      %dma_wait3A_92 = arith.constant 0 : i32
      %dma_wait3A_93 = tpu.memref_slice %arg17[%scan3A_77, %dma_wait3A_92] : memref<64x100xi32, #tpu.memory_space<vmem>> -> memref<1x100xi32, #tpu.memory_space<vmem>>
      %dma_wait3A_94 = tpu.memref_squeeze %dma_wait3A_93 : memref<1x100xi32, #tpu.memory_space<vmem>> -> memref<100xi32, #tpu.memory_space<vmem>>
      %dma_wait3A_95 = arith.constant 0 : i32
      %dma_wait3A_96 = arith.constant 0 : i32
      %dma_wait3A_97 = tpu.memref_slice %arg9[%dma_wait3A_95, %dma_wait3A_96] : memref<1000000x64xf32, #tpu.memory_space<hbm>> -> memref<1000000x64xf32, #tpu.memory_space<hbm>>
      %dma_wait3A_98 = tpu.memref_slice %arg25[%rem3A_87] : memref<2x!tpu.dma_semaphore, #tpu.memory_space<semaphore_mem>> -> memref<1x!tpu.dma_semaphore, #tpu.memory_space<semaphore_mem>>
      %dma_wait3A_99 = tpu.memref_squeeze %dma_wait3A_98 : memref<1x!tpu.dma_semaphore, #tpu.memory_space<semaphore_mem>> -> memref<!tpu.dma_semaphore, #tpu.memory_space<semaphore_mem>>
      tpu.wait_indirect_dma semaphore(%dma_wait3A_99 : memref<!tpu.dma_semaphore, #tpu.memory_space<semaphore_mem>>) src(%dma_wait3A_97 : memref<1000000x64xf32, #tpu.memory_space<hbm>>) dst(%dma_wait3A_91 : memref<100x64xf32, #tpu.memory_space<vmem>>)
      %dma_wait3A_100 = arith.constant 0 : i32
      %dma_wait3A_101 = arith.constant 0 : i32
      %dma_wait3A_102 = tpu.memref_slice %arg21[%rem3A_87, %dma_wait3A_100, %dma_wait3A_101] : memref<2x100x64xf32, #tpu.memory_space<vmem>> -> memref<1x100x64xf32, #tpu.memory_space<vmem>>
      %dma_wait3A_103 = tpu.memref_squeeze %dma_wait3A_102 : memref<1x100x64xf32, #tpu.memory_space<vmem>> -> memref<100x64xf32, #tpu.memory_space<vmem>>
      %dma_wait3A_104 = arith.constant 0 : i32
      %dma_wait3A_105 = tpu.memref_slice %arg18[%scan3A_77, %dma_wait3A_104] : memref<64x100xi32, #tpu.memory_space<vmem>> -> memref<1x100xi32, #tpu.memory_space<vmem>>
      %dma_wait3A_106 = tpu.memref_squeeze %dma_wait3A_105 : memref<1x100xi32, #tpu.memory_space<vmem>> -> memref<100xi32, #tpu.memory_space<vmem>>
      %dma_wait3A_107 = arith.constant 0 : i32
      %dma_wait3A_108 = arith.constant 0 : i32
      %dma_wait3A_109 = tpu.memref_slice %arg8[%dma_wait3A_107, %dma_wait3A_108] : memref<1000000x64xf32, #tpu.memory_space<hbm>> -> memref<1000000x64xf32, #tpu.memory_space<hbm>>
      %dma_wait3A_110 = tpu.memref_slice %arg25[%rem3A_87] : memref<2x!tpu.dma_semaphore, #tpu.memory_space<semaphore_mem>> -> memref<1x!tpu.dma_semaphore, #tpu.memory_space<semaphore_mem>>
      %dma_wait3A_111 = tpu.memref_squeeze %dma_wait3A_110 : memref<1x!tpu.dma_semaphore, #tpu.memory_space<semaphore_mem>> -> memref<!tpu.dma_semaphore, #tpu.memory_space<semaphore_mem>>
      tpu.wait_indirect_dma semaphore(%dma_wait3A_111 : memref<!tpu.dma_semaphore, #tpu.memory_space<semaphore_mem>>) src(%dma_wait3A_109 : memref<1000000x64xf32, #tpu.memory_space<hbm>>) dst(%dma_wait3A_103 : memref<100x64xf32, #tpu.memory_space<vmem>>)
      %dma_wait3A_112 = arith.constant 0 : i32
      %dma_wait3A_113 = arith.constant 0 : i32
      %dma_wait3A_114 = tpu.memref_slice %arg22[%rem3A_87, %dma_wait3A_112, %dma_wait3A_113] : memref<2x100x64xf32, #tpu.memory_space<vmem>> -> memref<1x100x64xf32, #tpu.memory_space<vmem>>
      %dma_wait3A_115 = tpu.memref_squeeze %dma_wait3A_114 : memref<1x100x64xf32, #tpu.memory_space<vmem>> -> memref<100x64xf32, #tpu.memory_space<vmem>>
      %dma_wait3A_116 = arith.constant 0 : i32
      %dma_wait3A_117 = tpu.memref_slice %arg19[%scan3A_77, %dma_wait3A_116] : memref<64x100xi32, #tpu.memory_space<vmem>> -> memref<1x100xi32, #tpu.memory_space<vmem>>
      %dma_wait3A_118 = tpu.memref_squeeze %dma_wait3A_117 : memref<1x100xi32, #tpu.memory_space<vmem>> -> memref<100xi32, #tpu.memory_space<vmem>>
      %dma_wait3A_119 = arith.constant 0 : i32
      %dma_wait3A_120 = arith.constant 0 : i32
      %dma_wait3A_121 = tpu.memref_slice %arg8[%dma_wait3A_119, %dma_wait3A_120] : memref<1000000x64xf32, #tpu.memory_space<hbm>> -> memref<1000000x64xf32, #tpu.memory_space<hbm>>
      %dma_wait3A_122 = tpu.memref_slice %arg25[%rem3A_87] : memref<2x!tpu.dma_semaphore, #tpu.memory_space<semaphore_mem>> -> memref<1x!tpu.dma_semaphore, #tpu.memory_space<semaphore_mem>>
      %dma_wait3A_123 = tpu.memref_squeeze %dma_wait3A_122 : memref<1x!tpu.dma_semaphore, #tpu.memory_space<semaphore_mem>> -> memref<!tpu.dma_semaphore, #tpu.memory_space<semaphore_mem>>
      tpu.wait_indirect_dma semaphore(%dma_wait3A_123 : memref<!tpu.dma_semaphore, #tpu.memory_space<semaphore_mem>>) src(%dma_wait3A_121 : memref<1000000x64xf32, #tpu.memory_space<hbm>>) dst(%dma_wait3A_115 : memref<100x64xf32, #tpu.memory_space<vmem>>)
      %rem3A_124 = arith.constant 2 : i32
      %rem3A_125 = arith.remsi %scan3A_77, %rem3A_124 : i32
      %scan3A_126 = arith.constant 0 : i32
      %scan3A_127 = arith.constant 50 : i32
      %scan3A_128 = arith.addi %scan3A_126, %scan3A_127 : i32
      %scan3A_129 = arith.constant 1 : i32
      %scan3A_130:12 = scf.for %scan3A_415 = %scan3A_126 to %scan3A_128 step %scan3A_129 iter_args(%scan3A_416 = %broadcast_in_dim3A_62, %scan3A_417 = %broadcast_in_dim3A_62, %scan3A_418 = %broadcast_in_dim3A_62, %scan3A_419 = %broadcast_in_dim3A_62, %scan3A_420 = %broadcast_in_dim3A_62, %scan3A_421 = %broadcast_in_dim3A_62, %scan3A_422 = %broadcast_in_dim3A_62, %scan3A_423 = %broadcast_in_dim3A_62, %scan3A_424 = %broadcast_in_dim3A_62, %scan3A_425 = %broadcast_in_dim3A_62, %scan3A_426 = %broadcast_in_dim3A_62, %scan3A_427 = %broadcast_in_dim3A_62) -> (vector<16xf32>, vector<16xf32>, vector<16xf32>, vector<16xf32>, vector<16xf32>, vector<16xf32>, vector<16xf32>, vector<16xf32>, vector<16xf32>, vector<16xf32>, vector<16xf32>, vector<16xf32>)  : i32 {
        %add3A_428 = arith.constant 0 : i32
        %add3A_429 = arith.addi %add3A_428, %scan3A_415 : i32
        %get3A_430 = arith.index_cast %rem3A_125 : i32 to index
        %get3A_431 = arith.index_cast %add3A_429 : i32 to index
        %get3A_432 = arith.constant 0 : index
        %get3A_433 = tpu.vector_load %arg20[%get3A_430, %get3A_431, %get3A_432] {strides = array<i32>} : memref<2x100x64xf32, #tpu.memory_space<vmem>>, vector<1x1x16xf32>,
        %get3A_434 = vector.shape_cast %get3A_433 : vector<1x1x16xf32> to vector<16xf32>
        %add3A_435 = arith.addf %scan3A_416, %get3A_434 : vector<16xf32>
        %add3A_436 = arith.constant 0 : i32
        %add3A_437 = arith.addi %add3A_436, %scan3A_415 : i32
        %get3A_438 = arith.index_cast %rem3A_125 : i32 to index
        %get3A_439 = arith.index_cast %add3A_437 : i32 to index
        %get3A_440 = arith.constant 16 : index
        %get3A_441 = tpu.vector_load %arg20[%get3A_438, %get3A_439, %get3A_440] {strides = array<i32>} : memref<2x100x64xf32, #tpu.memory_space<vmem>>, vector<1x1x16xf32>,
        %get3A_442 = vector.shape_cast %get3A_441 : vector<1x1x16xf32> to vector<16xf32>
        %add3A_443 = arith.addf %scan3A_417, %get3A_442 : vector<16xf32>
        %add3A_444 = arith.constant 0 : i32
        %add3A_445 = arith.addi %add3A_444, %scan3A_415 : i32
        %get3A_446 = arith.index_cast %rem3A_125 : i32 to index
        %get3A_447 = arith.index_cast %add3A_445 : i32 to index
        %get3A_448 = arith.constant 32 : index
        %get3A_449 = tpu.vector_load %arg20[%get3A_446, %get3A_447, %get3A_448] {strides = array<i32>} : memref<2x100x64xf32, #tpu.memory_space<vmem>>, vector<1x1x16xf32>,
        %get3A_450 = vector.shape_cast %get3A_449 : vector<1x1x16xf32> to vector<16xf32>
        %add3A_451 = arith.addf %scan3A_418, %get3A_450 : vector<16xf32>
        %add3A_452 = arith.constant 0 : i32
        %add3A_453 = arith.addi %add3A_452, %scan3A_415 : i32
        %get3A_454 = arith.index_cast %rem3A_125 : i32 to index
        %get3A_455 = arith.index_cast %add3A_453 : i32 to index
        %get3A_456 = arith.constant 48 : index
        %get3A_457 = tpu.vector_load %arg20[%get3A_454, %get3A_455, %get3A_456] {strides = array<i32>} : memref<2x100x64xf32, #tpu.memory_space<vmem>>, vector<1x1x16xf32>,
        %get3A_458 = vector.shape_cast %get3A_457 : vector<1x1x16xf32> to vector<16xf32>
        %add3A_459 = arith.addf %scan3A_419, %get3A_458 : vector<16xf32>
        %add3A_460 = arith.constant 0 : i32
        %add3A_461 = arith.addi %add3A_460, %scan3A_415 : i32
        %get3A_462 = arith.index_cast %rem3A_125 : i32 to index
        %get3A_463 = arith.index_cast %add3A_461 : i32 to index
        %get3A_464 = arith.constant 0 : index
        %get3A_465 = tpu.vector_load %arg21[%get3A_462, %get3A_463, %get3A_464] {strides = array<i32>} : memref<2x100x64xf32, #tpu.memory_space<vmem>>, vector<1x1x16xf32>,
        %get3A_466 = vector.shape_cast %get3A_465 : vector<1x1x16xf32> to vector<16xf32>
        %add3A_467 = arith.addf %scan3A_420, %get3A_466 : vector<16xf32>
        %add3A_468 = arith.constant 0 : i32
        %add3A_469 = arith.addi %add3A_468, %scan3A_415 : i32
        %get3A_470 = arith.index_cast %rem3A_125 : i32 to index
        %get3A_471 = arith.index_cast %add3A_469 : i32 to index
        %get3A_472 = arith.constant 16 : index
        %get3A_473 = tpu.vector_load %arg21[%get3A_470, %get3A_471, %get3A_472] {strides = array<i32>} : memref<2x100x64xf32, #tpu.memory_space<vmem>>, vector<1x1x16xf32>,
        %get3A_474 = vector.shape_cast %get3A_473 : vector<1x1x16xf32> to vector<16xf32>
        %add3A_475 = arith.addf %scan3A_421, %get3A_474 : vector<16xf32>
        %add3A_476 = arith.constant 0 : i32
        %add3A_477 = arith.addi %add3A_476, %scan3A_415 : i32
        %get3A_478 = arith.index_cast %rem3A_125 : i32 to index
        %get3A_479 = arith.index_cast %add3A_477 : i32 to index
        %get3A_480 = arith.constant 32 : index
        %get3A_481 = tpu.vector_load %arg21[%get3A_478, %get3A_479, %get3A_480] {strides = array<i32>} : memref<2x100x64xf32, #tpu.memory_space<vmem>>, vector<1x1x16xf32>,
        %get3A_482 = vector.shape_cast %get3A_481 : vector<1x1x16xf32> to vector<16xf32>
        %add3A_483 = arith.addf %scan3A_422, %get3A_482 : vector<16xf32>
        %add3A_484 = arith.constant 0 : i32
        %add3A_485 = arith.addi %add3A_484, %scan3A_415 : i32
        %get3A_486 = arith.index_cast %rem3A_125 : i32 to index
        %get3A_487 = arith.index_cast %add3A_485 : i32 to index
        %get3A_488 = arith.constant 48 : index
        %get3A_489 = tpu.vector_load %arg21[%get3A_486, %get3A_487, %get3A_488] {strides = array<i32>} : memref<2x100x64xf32, #tpu.memory_space<vmem>>, vector<1x1x16xf32>,
        %get3A_490 = vector.shape_cast %get3A_489 : vector<1x1x16xf32> to vector<16xf32>
        %add3A_491 = arith.addf %scan3A_423, %get3A_490 : vector<16xf32>
        %add3A_492 = arith.constant 0 : i32
        %add3A_493 = arith.addi %add3A_492, %scan3A_415 : i32
        %get3A_494 = arith.index_cast %rem3A_125 : i32 to index
        %get3A_495 = arith.index_cast %add3A_493 : i32 to index
        %get3A_496 = arith.constant 0 : index
        %get3A_497 = tpu.vector_load %arg22[%get3A_494, %get3A_495, %get3A_496] {strides = array<i32>} : memref<2x100x64xf32, #tpu.memory_space<vmem>>, vector<1x1x16xf32>,
        %get3A_498 = vector.shape_cast %get3A_497 : vector<1x1x16xf32> to vector<16xf32>
        %add3A_499 = arith.addf %scan3A_424, %get3A_498 : vector<16xf32>
        %add3A_500 = arith.constant 0 : i32
        %add3A_501 = arith.addi %add3A_500, %scan3A_415 : i32
        %get3A_502 = arith.index_cast %rem3A_125 : i32 to index
        %get3A_503 = arith.index_cast %add3A_501 : i32 to index
        %get3A_504 = arith.constant 16 : index
        %get3A_505 = tpu.vector_load %arg22[%get3A_502, %get3A_503, %get3A_504] {strides = array<i32>} : memref<2x100x64xf32, #tpu.memory_space<vmem>>, vector<1x1x16xf32>,
        %get3A_506 = vector.shape_cast %get3A_505 : vector<1x1x16xf32> to vector<16xf32>
        %add3A_507 = arith.addf %scan3A_425, %get3A_506 : vector<16xf32>
        %add3A_508 = arith.constant 0 : i32
        %add3A_509 = arith.addi %add3A_508, %scan3A_415 : i32
        %get3A_510 = arith.index_cast %rem3A_125 : i32 to index
        %get3A_511 = arith.index_cast %add3A_509 : i32 to index
        %get3A_512 = arith.constant 32 : index
        %get3A_513 = tpu.vector_load %arg22[%get3A_510, %get3A_511, %get3A_512] {strides = array<i32>} : memref<2x100x64xf32, #tpu.memory_space<vmem>>, vector<1x1x16xf32>,
        %get3A_514 = vector.shape_cast %get3A_513 : vector<1x1x16xf32> to vector<16xf32>
        %add3A_515 = arith.addf %scan3A_426, %get3A_514 : vector<16xf32>
        %add3A_516 = arith.constant 0 : i32
        %add3A_517 = arith.addi %add3A_516, %scan3A_415 : i32
        %get3A_518 = arith.index_cast %rem3A_125 : i32 to index
        %get3A_519 = arith.index_cast %add3A_517 : i32 to index
        %get3A_520 = arith.constant 48 : index
        %get3A_521 = tpu.vector_load %arg22[%get3A_518, %get3A_519, %get3A_520] {strides = array<i32>} : memref<2x100x64xf32, #tpu.memory_space<vmem>>, vector<1x1x16xf32>,
        %get3A_522 = vector.shape_cast %get3A_521 : vector<1x1x16xf32> to vector<16xf32>
        %add3A_523 = arith.addf %scan3A_427, %get3A_522 : vector<16xf32>
        scf.yield %add3A_435, %add3A_443, %add3A_451, %add3A_459, %add3A_467, %add3A_475, %add3A_483, %add3A_491, %add3A_499, %add3A_507, %add3A_515, %add3A_523 : vector<16xf32>, vector<16xf32>, vector<16xf32>, vector<16xf32>, vector<16xf32>, vector<16xf32>, vector<16xf32>, vector<16xf32>, vector<16xf32>, vector<16xf32>, vector<16xf32>, vector<16xf32>
      }
      %scan3A_131 = arith.constant 50 : i32
      %mul3A_132 = arith.constant 2 : i32
      %mul3A_133 = arith.muli %scan3A_77, %mul3A_132 : i32
      %add3A_134 = arith.constant 0 : i32
      %add3A_135 = arith.addi %mul3A_133, %add3A_134 : i32
      %mul3A_136 = vector.broadcast %scan3A : f32 to vector<16xf32>
      %mul3A_137 = arith.mulf %scan3A_130#0, %mul3A_136 : vector<16xf32>
      %mul3A_138 = vector.broadcast %scan3A : f32 to vector<16xf32>
      %mul3A_139 = arith.mulf %scan3A_130#4, %mul3A_138 : vector<16xf32>
      %mul3A_140 = vector.broadcast %scan3A : f32 to vector<16xf32>
      %mul3A_141 = arith.mulf %scan3A_130#8, %mul3A_140 : vector<16xf32>
      %get3A = arith.index_cast %add3A_135 : i32 to index
      %get3A_142 = arith.constant 0 : index
      %get3A_143 = tpu.vector_load %arg14[%get3A, %get3A_142] {strides = array<i32>} : memref<128x64xf32, #tpu.memory_space<vmem>>, vector<1x16xf32>,
      %get3A_144 = vector.shape_cast %get3A_143 : vector<1x16xf32> to vector<16xf32>
      %get3A_145 = arith.index_cast %add3A_135 : i32 to index
      %get3A_146 = arith.constant 0 : index
      %get3A_147 = tpu.vector_load %arg15[%get3A_145, %get3A_146] {strides = array<i32>} : memref<128x64xf32, #tpu.memory_space<vmem>>, vector<1x16xf32>,
      %get3A_148 = vector.shape_cast %get3A_147 : vector<1x16xf32> to vector<16xf32>
      %get3A_149 = arith.index_cast %add3A_135 : i32 to index
      %get3A_150 = arith.constant 0 : index
      %get3A_151 = tpu.vector_load %arg16[%get3A_149, %get3A_150] {strides = array<i32>} : memref<128x64xf32, #tpu.memory_space<vmem>>, vector<1x16xf32>,
      %get3A_152 = vector.shape_cast %get3A_151 : vector<1x16xf32> to vector<16xf32>
      %mul3A_153 = arith.mulf %mul3A_137, %mul3A_139 : vector<16xf32>
      %add3A_154 = arith.addf %get3A_144, %mul3A_153 : vector<16xf32>
      %sub3A = arith.subf %add3A_154, %get3A_148 : vector<16xf32>
      %mul3A_155 = arith.mulf %mul3A_137, %mul3A_141 : vector<16xf32>
      %add3A_156 = arith.addf %get3A_144, %mul3A_155 : vector<16xf32>
      %sub3A_157 = arith.subf %add3A_156, %get3A_152 : vector<16xf32>
      %mul3A_158 = arith.mulf %sub3A, %sub3A : vector<16xf32>
      %add3A_159 = arith.constant 1.000000e+00 : f32
      %add3A_160 = vector.broadcast %add3A_159 : f32 to vector<16xf32>
      %add3A_161 = arith.addf %add3A_160, %mul3A_158 : vector<16xf32>
      %mul3A_162 = arith.mulf %sub3A_157, %sub3A_157 : vector<16xf32>
      %sub3A_163 = arith.subf %add3A_161, %mul3A_162 : vector<16xf32>
      %max3A = arith.constant 0.000000e+00 : f32
      %max3A_164 = vector.broadcast %max3A : f32 to vector<16xf32>
      %max3A_165 = arith.maximumf %sub3A_163, %max3A_164 : vector<16xf32>
      %add3A_166 = arith.addf %scan3A_78, %max3A_165 : vector<16xf32>
      %mul3A_167 = vector.broadcast %scan3A : f32 to vector<16xf32>
      %mul3A_168 = arith.mulf %scan3A_130#1, %mul3A_167 : vector<16xf32>
      %mul3A_169 = vector.broadcast %scan3A : f32 to vector<16xf32>
      %mul3A_170 = arith.mulf %scan3A_130#5, %mul3A_169 : vector<16xf32>
      %mul3A_171 = vector.broadcast %scan3A : f32 to vector<16xf32>
      %mul3A_172 = arith.mulf %scan3A_130#9, %mul3A_171 : vector<16xf32>
      %get3A_173 = arith.index_cast %add3A_135 : i32 to index
      %get3A_174 = arith.constant 16 : index
      %get3A_175 = tpu.vector_load %arg14[%get3A_173, %get3A_174] {strides = array<i32>} : memref<128x64xf32, #tpu.memory_space<vmem>>, vector<1x16xf32>,
      %get3A_176 = vector.shape_cast %get3A_175 : vector<1x16xf32> to vector<16xf32>
      %get3A_177 = arith.index_cast %add3A_135 : i32 to index
      %get3A_178 = arith.constant 16 : index
      %get3A_179 = tpu.vector_load %arg15[%get3A_177, %get3A_178] {strides = array<i32>} : memref<128x64xf32, #tpu.memory_space<vmem>>, vector<1x16xf32>,
      %get3A_180 = vector.shape_cast %get3A_179 : vector<1x16xf32> to vector<16xf32>
      %get3A_181 = arith.index_cast %add3A_135 : i32 to index
      %get3A_182 = arith.constant 16 : index
      %get3A_183 = tpu.vector_load %arg16[%get3A_181, %get3A_182] {strides = array<i32>} : memref<128x64xf32, #tpu.memory_space<vmem>>, vector<1x16xf32>,
      %get3A_184 = vector.shape_cast %get3A_183 : vector<1x16xf32> to vector<16xf32>
      %mul3A_185 = arith.mulf %mul3A_168, %mul3A_170 : vector<16xf32>
      %add3A_186 = arith.addf %get3A_176, %mul3A_185 : vector<16xf32>
      %sub3A_187 = arith.subf %add3A_186, %get3A_180 : vector<16xf32>
      %mul3A_188 = arith.mulf %mul3A_168, %mul3A_172 : vector<16xf32>
      %add3A_189 = arith.addf %get3A_176, %mul3A_188 : vector<16xf32>
      %sub3A_190 = arith.subf %add3A_189, %get3A_184 : vector<16xf32>
      %mul3A_191 = arith.mulf %sub3A_187, %sub3A_187 : vector<16xf32>
      %add3A_192 = arith.constant 1.000000e+00 : f32
      %add3A_193 = vector.broadcast %add3A_192 : f32 to vector<16xf32>
      %add3A_194 = arith.addf %add3A_193, %mul3A_191 : vector<16xf32>
      %mul3A_195 = arith.mulf %sub3A_190, %sub3A_190 : vector<16xf32>
      %sub3A_196 = arith.subf %add3A_194, %mul3A_195 : vector<16xf32>
      %max3A_197 = arith.constant 0.000000e+00 : f32
      %max3A_198 = vector.broadcast %max3A_197 : f32 to vector<16xf32>
      %max3A_199 = arith.maximumf %sub3A_196, %max3A_198 : vector<16xf32>
      %add3A_200 = arith.addf %scan3A_79, %max3A_199 : vector<16xf32>
      %mul3A_201 = vector.broadcast %scan3A : f32 to vector<16xf32>
      %mul3A_202 = arith.mulf %scan3A_130#2, %mul3A_201 : vector<16xf32>
      %mul3A_203 = vector.broadcast %scan3A : f32 to vector<16xf32>
      %mul3A_204 = arith.mulf %scan3A_130#6, %mul3A_203 : vector<16xf32>
      %mul3A_205 = vector.broadcast %scan3A : f32 to vector<16xf32>
      %mul3A_206 = arith.mulf %scan3A_130#10, %mul3A_205 : vector<16xf32>
      %get3A_207 = arith.index_cast %add3A_135 : i32 to index
      %get3A_208 = arith.constant 32 : index
      %get3A_209 = tpu.vector_load %arg14[%get3A_207, %get3A_208] {strides = array<i32>} : memref<128x64xf32, #tpu.memory_space<vmem>>, vector<1x16xf32>,
      %get3A_210 = vector.shape_cast %get3A_209 : vector<1x16xf32> to vector<16xf32>
      %get3A_211 = arith.index_cast %add3A_135 : i32 to index
      %get3A_212 = arith.constant 32 : index
      %get3A_213 = tpu.vector_load %arg15[%get3A_211, %get3A_212] {strides = array<i32>} : memref<128x64xf32, #tpu.memory_space<vmem>>, vector<1x16xf32>,
      %get3A_214 = vector.shape_cast %get3A_213 : vector<1x16xf32> to vector<16xf32>
      %get3A_215 = arith.index_cast %add3A_135 : i32 to index
      %get3A_216 = arith.constant 32 : index
      %get3A_217 = tpu.vector_load %arg16[%get3A_215, %get3A_216] {strides = array<i32>} : memref<128x64xf32, #tpu.memory_space<vmem>>, vector<1x16xf32>,
      %get3A_218 = vector.shape_cast %get3A_217 : vector<1x16xf32> to vector<16xf32>
      %mul3A_219 = arith.mulf %mul3A_202, %mul3A_204 : vector<16xf32>
      %add3A_220 = arith.addf %get3A_210, %mul3A_219 : vector<16xf32>
      %sub3A_221 = arith.subf %add3A_220, %get3A_214 : vector<16xf32>
      %mul3A_222 = arith.mulf %mul3A_202, %mul3A_206 : vector<16xf32>
      %add3A_223 = arith.addf %get3A_210, %mul3A_222 : vector<16xf32>
      %sub3A_224 = arith.subf %add3A_223, %get3A_218 : vector<16xf32>
      %mul3A_225 = arith.mulf %sub3A_221, %sub3A_221 : vector<16xf32>
      %add3A_226 = arith.constant 1.000000e+00 : f32
      %add3A_227 = vector.broadcast %add3A_226 : f32 to vector<16xf32>
      %add3A_228 = arith.addf %add3A_227, %mul3A_225 : vector<16xf32>
      %mul3A_229 = arith.mulf %sub3A_224, %sub3A_224 : vector<16xf32>
      %sub3A_230 = arith.subf %add3A_228, %mul3A_229 : vector<16xf32>
      %max3A_231 = arith.constant 0.000000e+00 : f32
      %max3A_232 = vector.broadcast %max3A_231 : f32 to vector<16xf32>
      %max3A_233 = arith.maximumf %sub3A_230, %max3A_232 : vector<16xf32>
      %add3A_234 = arith.addf %scan3A_80, %max3A_233 : vector<16xf32>
      %mul3A_235 = vector.broadcast %scan3A : f32 to vector<16xf32>
      %mul3A_236 = arith.mulf %scan3A_130#3, %mul3A_235 : vector<16xf32>
      %mul3A_237 = vector.broadcast %scan3A : f32 to vector<16xf32>
      %mul3A_238 = arith.mulf %scan3A_130#7, %mul3A_237 : vector<16xf32>
      %mul3A_239 = vector.broadcast %scan3A : f32 to vector<16xf32>
      %mul3A_240 = arith.mulf %scan3A_130#11, %mul3A_239 : vector<16xf32>
      %get3A_241 = arith.index_cast %add3A_135 : i32 to index
      %get3A_242 = arith.constant 48 : index
      %get3A_243 = tpu.vector_load %arg14[%get3A_241, %get3A_242] {strides = array<i32>} : memref<128x64xf32, #tpu.memory_space<vmem>>, vector<1x16xf32>,
      %get3A_244 = vector.shape_cast %get3A_243 : vector<1x16xf32> to vector<16xf32>
      %get3A_245 = arith.index_cast %add3A_135 : i32 to index
      %get3A_246 = arith.constant 48 : index
      %get3A_247 = tpu.vector_load %arg15[%get3A_245, %get3A_246] {strides = array<i32>} : memref<128x64xf32, #tpu.memory_space<vmem>>, vector<1x16xf32>,
      %get3A_248 = vector.shape_cast %get3A_247 : vector<1x16xf32> to vector<16xf32>
      %get3A_249 = arith.index_cast %add3A_135 : i32 to index
      %get3A_250 = arith.constant 48 : index
      %get3A_251 = tpu.vector_load %arg16[%get3A_249, %get3A_250] {strides = array<i32>} : memref<128x64xf32, #tpu.memory_space<vmem>>, vector<1x16xf32>,
      %get3A_252 = vector.shape_cast %get3A_251 : vector<1x16xf32> to vector<16xf32>
      %mul3A_253 = arith.mulf %mul3A_236, %mul3A_238 : vector<16xf32>
      %add3A_254 = arith.addf %get3A_244, %mul3A_253 : vector<16xf32>
      %sub3A_255 = arith.subf %add3A_254, %get3A_248 : vector<16xf32>
      %mul3A_256 = arith.mulf %mul3A_236, %mul3A_240 : vector<16xf32>
      %add3A_257 = arith.addf %get3A_244, %mul3A_256 : vector<16xf32>
      %sub3A_258 = arith.subf %add3A_257, %get3A_252 : vector<16xf32>
      %mul3A_259 = arith.mulf %sub3A_255, %sub3A_255 : vector<16xf32>
      %add3A_260 = arith.constant 1.000000e+00 : f32
      %add3A_261 = vector.broadcast %add3A_260 : f32 to vector<16xf32>
      %add3A_262 = arith.addf %add3A_261, %mul3A_259 : vector<16xf32>
      %mul3A_263 = arith.mulf %sub3A_258, %sub3A_258 : vector<16xf32>
      %sub3A_264 = arith.subf %add3A_262, %mul3A_263 : vector<16xf32>
      %max3A_265 = arith.constant 0.000000e+00 : f32
      %max3A_266 = vector.broadcast %max3A_265 : f32 to vector<16xf32>
      %max3A_267 = arith.maximumf %sub3A_264, %max3A_266 : vector<16xf32>
      %add3A_268 = arith.addf %scan3A_81, %max3A_267 : vector<16xf32>
      %scan3A_269 = arith.constant 0 : i32
      %scan3A_270 = arith.constant 50 : i32
      %scan3A_271 = arith.addi %scan3A_269, %scan3A_270 : i32
      %scan3A_272 = arith.constant 1 : i32
      %scan3A_273:12 = scf.for %scan3A_415 = %scan3A_269 to %scan3A_271 step %scan3A_272 iter_args(%scan3A_416 = %broadcast_in_dim3A_62, %scan3A_417 = %broadcast_in_dim3A_62, %scan3A_418 = %broadcast_in_dim3A_62, %scan3A_419 = %broadcast_in_dim3A_62, %scan3A_420 = %broadcast_in_dim3A_62, %scan3A_421 = %broadcast_in_dim3A_62, %scan3A_422 = %broadcast_in_dim3A_62, %scan3A_423 = %broadcast_in_dim3A_62, %scan3A_424 = %broadcast_in_dim3A_62, %scan3A_425 = %broadcast_in_dim3A_62, %scan3A_426 = %broadcast_in_dim3A_62, %scan3A_427 = %broadcast_in_dim3A_62) -> (vector<16xf32>, vector<16xf32>, vector<16xf32>, vector<16xf32>, vector<16xf32>, vector<16xf32>, vector<16xf32>, vector<16xf32>, vector<16xf32>, vector<16xf32>, vector<16xf32>, vector<16xf32>)  : i32 {
        %add3A_428 = arith.constant 50 : i32
        %add3A_429 = arith.addi %add3A_428, %scan3A_415 : i32
        %get3A_430 = arith.index_cast %rem3A_125 : i32 to index
        %get3A_431 = arith.index_cast %add3A_429 : i32 to index
        %get3A_432 = arith.constant 0 : index
        %get3A_433 = tpu.vector_load %arg20[%get3A_430, %get3A_431, %get3A_432] {strides = array<i32>} : memref<2x100x64xf32, #tpu.memory_space<vmem>>, vector<1x1x16xf32>,
        %get3A_434 = vector.shape_cast %get3A_433 : vector<1x1x16xf32> to vector<16xf32>
        %add3A_435 = arith.addf %scan3A_416, %get3A_434 : vector<16xf32>
        %add3A_436 = arith.constant 50 : i32
        %add3A_437 = arith.addi %add3A_436, %scan3A_415 : i32
        %get3A_438 = arith.index_cast %rem3A_125 : i32 to index
        %get3A_439 = arith.index_cast %add3A_437 : i32 to index
        %get3A_440 = arith.constant 16 : index
        %get3A_441 = tpu.vector_load %arg20[%get3A_438, %get3A_439, %get3A_440] {strides = array<i32>} : memref<2x100x64xf32, #tpu.memory_space<vmem>>, vector<1x1x16xf32>,
        %get3A_442 = vector.shape_cast %get3A_441 : vector<1x1x16xf32> to vector<16xf32>
        %add3A_443 = arith.addf %scan3A_417, %get3A_442 : vector<16xf32>
        %add3A_444 = arith.constant 50 : i32
        %add3A_445 = arith.addi %add3A_444, %scan3A_415 : i32
        %get3A_446 = arith.index_cast %rem3A_125 : i32 to index
        %get3A_447 = arith.index_cast %add3A_445 : i32 to index
        %get3A_448 = arith.constant 32 : index
        %get3A_449 = tpu.vector_load %arg20[%get3A_446, %get3A_447, %get3A_448] {strides = array<i32>} : memref<2x100x64xf32, #tpu.memory_space<vmem>>, vector<1x1x16xf32>,
        %get3A_450 = vector.shape_cast %get3A_449 : vector<1x1x16xf32> to vector<16xf32>
        %add3A_451 = arith.addf %scan3A_418, %get3A_450 : vector<16xf32>
        %add3A_452 = arith.constant 50 : i32
        %add3A_453 = arith.addi %add3A_452, %scan3A_415 : i32
        %get3A_454 = arith.index_cast %rem3A_125 : i32 to index
        %get3A_455 = arith.index_cast %add3A_453 : i32 to index
        %get3A_456 = arith.constant 48 : index
        %get3A_457 = tpu.vector_load %arg20[%get3A_454, %get3A_455, %get3A_456] {strides = array<i32>} : memref<2x100x64xf32, #tpu.memory_space<vmem>>, vector<1x1x16xf32>,
        %get3A_458 = vector.shape_cast %get3A_457 : vector<1x1x16xf32> to vector<16xf32>
        %add3A_459 = arith.addf %scan3A_419, %get3A_458 : vector<16xf32>
        %add3A_460 = arith.constant 50 : i32
        %add3A_461 = arith.addi %add3A_460, %scan3A_415 : i32
        %get3A_462 = arith.index_cast %rem3A_125 : i32 to index
        %get3A_463 = arith.index_cast %add3A_461 : i32 to index
        %get3A_464 = arith.constant 0 : index
        %get3A_465 = tpu.vector_load %arg21[%get3A_462, %get3A_463, %get3A_464] {strides = array<i32>} : memref<2x100x64xf32, #tpu.memory_space<vmem>>, vector<1x1x16xf32>,
        %get3A_466 = vector.shape_cast %get3A_465 : vector<1x1x16xf32> to vector<16xf32>
        %add3A_467 = arith.addf %scan3A_420, %get3A_466 : vector<16xf32>
        %add3A_468 = arith.constant 50 : i32
        %add3A_469 = arith.addi %add3A_468, %scan3A_415 : i32
        %get3A_470 = arith.index_cast %rem3A_125 : i32 to index
        %get3A_471 = arith.index_cast %add3A_469 : i32 to index
        %get3A_472 = arith.constant 16 : index
        %get3A_473 = tpu.vector_load %arg21[%get3A_470, %get3A_471, %get3A_472] {strides = array<i32>} : memref<2x100x64xf32, #tpu.memory_space<vmem>>, vector<1x1x16xf32>,
        %get3A_474 = vector.shape_cast %get3A_473 : vector<1x1x16xf32> to vector<16xf32>
        %add3A_475 = arith.addf %scan3A_421, %get3A_474 : vector<16xf32>
        %add3A_476 = arith.constant 50 : i32
        %add3A_477 = arith.addi %add3A_476, %scan3A_415 : i32
        %get3A_478 = arith.index_cast %rem3A_125 : i32 to index
        %get3A_479 = arith.index_cast %add3A_477 : i32 to index
        %get3A_480 = arith.constant 32 : index
        %get3A_481 = tpu.vector_load %arg21[%get3A_478, %get3A_479, %get3A_480] {strides = array<i32>} : memref<2x100x64xf32, #tpu.memory_space<vmem>>, vector<1x1x16xf32>,
        %get3A_482 = vector.shape_cast %get3A_481 : vector<1x1x16xf32> to vector<16xf32>
        %add3A_483 = arith.addf %scan3A_422, %get3A_482 : vector<16xf32>
        %add3A_484 = arith.constant 50 : i32
        %add3A_485 = arith.addi %add3A_484, %scan3A_415 : i32
        %get3A_486 = arith.index_cast %rem3A_125 : i32 to index
        %get3A_487 = arith.index_cast %add3A_485 : i32 to index
        %get3A_488 = arith.constant 48 : index
        %get3A_489 = tpu.vector_load %arg21[%get3A_486, %get3A_487, %get3A_488] {strides = array<i32>} : memref<2x100x64xf32, #tpu.memory_space<vmem>>, vector<1x1x16xf32>,
        %get3A_490 = vector.shape_cast %get3A_489 : vector<1x1x16xf32> to vector<16xf32>
        %add3A_491 = arith.addf %scan3A_423, %get3A_490 : vector<16xf32>
        %add3A_492 = arith.constant 50 : i32
        %add3A_493 = arith.addi %add3A_492, %scan3A_415 : i32
        %get3A_494 = arith.index_cast %rem3A_125 : i32 to index
        %get3A_495 = arith.index_cast %add3A_493 : i32 to index
        %get3A_496 = arith.constant 0 : index
        %get3A_497 = tpu.vector_load %arg22[%get3A_494, %get3A_495, %get3A_496] {strides = array<i32>} : memref<2x100x64xf32, #tpu.memory_space<vmem>>, vector<1x1x16xf32>,
        %get3A_498 = vector.shape_cast %get3A_497 : vector<1x1x16xf32> to vector<16xf32>
        %add3A_499 = arith.addf %scan3A_424, %get3A_498 : vector<16xf32>
        %add3A_500 = arith.constant 50 : i32
        %add3A_501 = arith.addi %add3A_500, %scan3A_415 : i32
        %get3A_502 = arith.index_cast %rem3A_125 : i32 to index
        %get3A_503 = arith.index_cast %add3A_501 : i32 to index
        %get3A_504 = arith.constant 16 : index
        %get3A_505 = tpu.vector_load %arg22[%get3A_502, %get3A_503, %get3A_504] {strides = array<i32>} : memref<2x100x64xf32, #tpu.memory_space<vmem>>, vector<1x1x16xf32>,
        %get3A_506 = vector.shape_cast %get3A_505 : vector<1x1x16xf32> to vector<16xf32>
        %add3A_507 = arith.addf %scan3A_425, %get3A_506 : vector<16xf32>
        %add3A_508 = arith.constant 50 : i32
        %add3A_509 = arith.addi %add3A_508, %scan3A_415 : i32
        %get3A_510 = arith.index_cast %rem3A_125 : i32 to index
        %get3A_511 = arith.index_cast %add3A_509 : i32 to index
        %get3A_512 = arith.constant 32 : index
        %get3A_513 = tpu.vector_load %arg22[%get3A_510, %get3A_511, %get3A_512] {strides = array<i32>} : memref<2x100x64xf32, #tpu.memory_space<vmem>>, vector<1x1x16xf32>,
        %get3A_514 = vector.shape_cast %get3A_513 : vector<1x1x16xf32> to vector<16xf32>
        %add3A_515 = arith.addf %scan3A_426, %get3A_514 : vector<16xf32>
        %add3A_516 = arith.constant 50 : i32
        %add3A_517 = arith.addi %add3A_516, %scan3A_415 : i32
        %get3A_518 = arith.index_cast %rem3A_125 : i32 to index
        %get3A_519 = arith.index_cast %add3A_517 : i32 to index
        %get3A_520 = arith.constant 48 : index
        %get3A_521 = tpu.vector_load %arg22[%get3A_518, %get3A_519, %get3A_520] {strides = array<i32>} : memref<2x100x64xf32, #tpu.memory_space<vmem>>, vector<1x1x16xf32>,
        %get3A_522 = vector.shape_cast %get3A_521 : vector<1x1x16xf32> to vector<16xf32>
        %add3A_523 = arith.addf %scan3A_427, %get3A_522 : vector<16xf32>
        scf.yield %add3A_435, %add3A_443, %add3A_451, %add3A_459, %add3A_467, %add3A_475, %add3A_483, %add3A_491, %add3A_499, %add3A_507, %add3A_515, %add3A_523 : vector<16xf32>, vector<16xf32>, vector<16xf32>, vector<16xf32>, vector<16xf32>, vector<16xf32>, vector<16xf32>, vector<16xf32>, vector<16xf32>, vector<16xf32>, vector<16xf32>, vector<16xf32>
      }
      %scan3A_274 = arith.constant 50 : i32
      %mul3A_275 = arith.constant 2 : i32
      %mul3A_276 = arith.muli %scan3A_77, %mul3A_275 : i32
      %add3A_277 = arith.constant 1 : i32
      %add3A_278 = arith.addi %mul3A_276, %add3A_277 : i32
      %mul3A_279 = vector.broadcast %scan3A : f32 to vector<16xf32>
      %mul3A_280 = arith.mulf %scan3A_273#0, %mul3A_279 : vector<16xf32>
      %mul3A_281 = vector.broadcast %scan3A : f32 to vector<16xf32>
      %mul3A_282 = arith.mulf %scan3A_273#4, %mul3A_281 : vector<16xf32>
      %mul3A_283 = vector.broadcast %scan3A : f32 to vector<16xf32>
      %mul3A_284 = arith.mulf %scan3A_273#8, %mul3A_283 : vector<16xf32>
      %get3A_285 = arith.index_cast %add3A_278 : i32 to index
      %get3A_286 = arith.constant 0 : index
      %get3A_287 = tpu.vector_load %arg14[%get3A_285, %get3A_286] {strides = array<i32>} : memref<128x64xf32, #tpu.memory_space<vmem>>, vector<1x16xf32>,
      %get3A_288 = vector.shape_cast %get3A_287 : vector<1x16xf32> to vector<16xf32>
      %get3A_289 = arith.index_cast %add3A_278 : i32 to index
      %get3A_290 = arith.constant 0 : index
      %get3A_291 = tpu.vector_load %arg15[%get3A_289, %get3A_290] {strides = array<i32>} : memref<128x64xf32, #tpu.memory_space<vmem>>, vector<1x16xf32>,
      %get3A_292 = vector.shape_cast %get3A_291 : vector<1x16xf32> to vector<16xf32>
      %get3A_293 = arith.index_cast %add3A_278 : i32 to index
      %get3A_294 = arith.constant 0 : index
      %get3A_295 = tpu.vector_load %arg16[%get3A_293, %get3A_294] {strides = array<i32>} : memref<128x64xf32, #tpu.memory_space<vmem>>, vector<1x16xf32>,
      %get3A_296 = vector.shape_cast %get3A_295 : vector<1x16xf32> to vector<16xf32>
      %mul3A_297 = arith.mulf %mul3A_280, %mul3A_282 : vector<16xf32>
      %add3A_298 = arith.addf %get3A_288, %mul3A_297 : vector<16xf32>
      %sub3A_299 = arith.subf %add3A_298, %get3A_292 : vector<16xf32>
      %mul3A_300 = arith.mulf %mul3A_280, %mul3A_284 : vector<16xf32>
      %add3A_301 = arith.addf %get3A_288, %mul3A_300 : vector<16xf32>
      %sub3A_302 = arith.subf %add3A_301, %get3A_296 : vector<16xf32>
      %mul3A_303 = arith.mulf %sub3A_299, %sub3A_299 : vector<16xf32>
      %add3A_304 = arith.constant 1.000000e+00 : f32
      %add3A_305 = vector.broadcast %add3A_304 : f32 to vector<16xf32>
      %add3A_306 = arith.addf %add3A_305, %mul3A_303 : vector<16xf32>
      %mul3A_307 = arith.mulf %sub3A_302, %sub3A_302 : vector<16xf32>
      %sub3A_308 = arith.subf %add3A_306, %mul3A_307 : vector<16xf32>
      %max3A_309 = arith.constant 0.000000e+00 : f32
      %max3A_310 = vector.broadcast %max3A_309 : f32 to vector<16xf32>
      %max3A_311 = arith.maximumf %sub3A_308, %max3A_310 : vector<16xf32>
      %add3A_312 = arith.addf %add3A_166, %max3A_311 : vector<16xf32>
      %mul3A_313 = vector.broadcast %scan3A : f32 to vector<16xf32>
      %mul3A_314 = arith.mulf %scan3A_273#1, %mul3A_313 : vector<16xf32>
      %mul3A_315 = vector.broadcast %scan3A : f32 to vector<16xf32>
      %mul3A_316 = arith.mulf %scan3A_273#5, %mul3A_315 : vector<16xf32>
      %mul3A_317 = vector.broadcast %scan3A : f32 to vector<16xf32>
      %mul3A_318 = arith.mulf %scan3A_273#9, %mul3A_317 : vector<16xf32>
      %get3A_319 = arith.index_cast %add3A_278 : i32 to index
      %get3A_320 = arith.constant 16 : index
      %get3A_321 = tpu.vector_load %arg14[%get3A_319, %get3A_320] {strides = array<i32>} : memref<128x64xf32, #tpu.memory_space<vmem>>, vector<1x16xf32>,
      %get3A_322 = vector.shape_cast %get3A_321 : vector<1x16xf32> to vector<16xf32>
      %get3A_323 = arith.index_cast %add3A_278 : i32 to index
      %get3A_324 = arith.constant 16 : index
      %get3A_325 = tpu.vector_load %arg15[%get3A_323, %get3A_324] {strides = array<i32>} : memref<128x64xf32, #tpu.memory_space<vmem>>, vector<1x16xf32>,
      %get3A_326 = vector.shape_cast %get3A_325 : vector<1x16xf32> to vector<16xf32>
      %get3A_327 = arith.index_cast %add3A_278 : i32 to index
      %get3A_328 = arith.constant 16 : index
      %get3A_329 = tpu.vector_load %arg16[%get3A_327, %get3A_328] {strides = array<i32>} : memref<128x64xf32, #tpu.memory_space<vmem>>, vector<1x16xf32>,
      %get3A_330 = vector.shape_cast %get3A_329 : vector<1x16xf32> to vector<16xf32>
      %mul3A_331 = arith.mulf %mul3A_314, %mul3A_316 : vector<16xf32>
      %add3A_332 = arith.addf %get3A_322, %mul3A_331 : vector<16xf32>
      %sub3A_333 = arith.subf %add3A_332, %get3A_326 : vector<16xf32>
      %mul3A_334 = arith.mulf %mul3A_314, %mul3A_318 : vector<16xf32>
      %add3A_335 = arith.addf %get3A_322, %mul3A_334 : vector<16xf32>
      %sub3A_336 = arith.subf %add3A_335, %get3A_330 : vector<16xf32>
      %mul3A_337 = arith.mulf %sub3A_333, %sub3A_333 : vector<16xf32>
      %add3A_338 = arith.constant 1.000000e+00 : f32
      %add3A_339 = vector.broadcast %add3A_338 : f32 to vector<16xf32>
      %add3A_340 = arith.addf %add3A_339, %mul3A_337 : vector<16xf32>
      %mul3A_341 = arith.mulf %sub3A_336, %sub3A_336 : vector<16xf32>
      %sub3A_342 = arith.subf %add3A_340, %mul3A_341 : vector<16xf32>
      %max3A_343 = arith.constant 0.000000e+00 : f32
      %max3A_344 = vector.broadcast %max3A_343 : f32 to vector<16xf32>
      %max3A_345 = arith.maximumf %sub3A_342, %max3A_344 : vector<16xf32>
      %add3A_346 = arith.addf %add3A_200, %max3A_345 : vector<16xf32>
      %mul3A_347 = vector.broadcast %scan3A : f32 to vector<16xf32>
      %mul3A_348 = arith.mulf %scan3A_273#2, %mul3A_347 : vector<16xf32>
      %mul3A_349 = vector.broadcast %scan3A : f32 to vector<16xf32>
      %mul3A_350 = arith.mulf %scan3A_273#6, %mul3A_349 : vector<16xf32>
      %mul3A_351 = vector.broadcast %scan3A : f32 to vector<16xf32>
      %mul3A_352 = arith.mulf %scan3A_273#10, %mul3A_351 : vector<16xf32>
      %get3A_353 = arith.index_cast %add3A_278 : i32 to index
      %get3A_354 = arith.constant 32 : index
      %get3A_355 = tpu.vector_load %arg14[%get3A_353, %get3A_354] {strides = array<i32>} : memref<128x64xf32, #tpu.memory_space<vmem>>, vector<1x16xf32>,
      %get3A_356 = vector.shape_cast %get3A_355 : vector<1x16xf32> to vector<16xf32>
      %get3A_357 = arith.index_cast %add3A_278 : i32 to index
      %get3A_358 = arith.constant 32 : index
      %get3A_359 = tpu.vector_load %arg15[%get3A_357, %get3A_358] {strides = array<i32>} : memref<128x64xf32, #tpu.memory_space<vmem>>, vector<1x16xf32>,
      %get3A_360 = vector.shape_cast %get3A_359 : vector<1x16xf32> to vector<16xf32>
      %get3A_361 = arith.index_cast %add3A_278 : i32 to index
      %get3A_362 = arith.constant 32 : index
      %get3A_363 = tpu.vector_load %arg16[%get3A_361, %get3A_362] {strides = array<i32>} : memref<128x64xf32, #tpu.memory_space<vmem>>, vector<1x16xf32>,
      %get3A_364 = vector.shape_cast %get3A_363 : vector<1x16xf32> to vector<16xf32>
      %mul3A_365 = arith.mulf %mul3A_348, %mul3A_350 : vector<16xf32>
      %add3A_366 = arith.addf %get3A_356, %mul3A_365 : vector<16xf32>
      %sub3A_367 = arith.subf %add3A_366, %get3A_360 : vector<16xf32>
      %mul3A_368 = arith.mulf %mul3A_348, %mul3A_352 : vector<16xf32>
      %add3A_369 = arith.addf %get3A_356, %mul3A_368 : vector<16xf32>
      %sub3A_370 = arith.subf %add3A_369, %get3A_364 : vector<16xf32>
      %mul3A_371 = arith.mulf %sub3A_367, %sub3A_367 : vector<16xf32>
      %add3A_372 = arith.constant 1.000000e+00 : f32
      %add3A_373 = vector.broadcast %add3A_372 : f32 to vector<16xf32>
      %add3A_374 = arith.addf %add3A_373, %mul3A_371 : vector<16xf32>
      %mul3A_375 = arith.mulf %sub3A_370, %sub3A_370 : vector<16xf32>
      %sub3A_376 = arith.subf %add3A_374, %mul3A_375 : vector<16xf32>
      %max3A_377 = arith.constant 0.000000e+00 : f32
      %max3A_378 = vector.broadcast %max3A_377 : f32 to vector<16xf32>
      %max3A_379 = arith.maximumf %sub3A_376, %max3A_378 : vector<16xf32>
      %add3A_380 = arith.addf %add3A_234, %max3A_379 : vector<16xf32>
      %mul3A_381 = vector.broadcast %scan3A : f32 to vector<16xf32>
      %mul3A_382 = arith.mulf %scan3A_273#3, %mul3A_381 : vector<16xf32>
      %mul3A_383 = vector.broadcast %scan3A : f32 to vector<16xf32>
      %mul3A_384 = arith.mulf %scan3A_273#7, %mul3A_383 : vector<16xf32>
      %mul3A_385 = vector.broadcast %scan3A : f32 to vector<16xf32>
      %mul3A_386 = arith.mulf %scan3A_273#11, %mul3A_385 : vector<16xf32>
      %get3A_387 = arith.index_cast %add3A_278 : i32 to index
      %get3A_388 = arith.constant 48 : index
      %get3A_389 = tpu.vector_load %arg14[%get3A_387, %get3A_388] {strides = array<i32>} : memref<128x64xf32, #tpu.memory_space<vmem>>, vector<1x16xf32>,
      %get3A_390 = vector.shape_cast %get3A_389 : vector<1x16xf32> to vector<16xf32>
      %get3A_391 = arith.index_cast %add3A_278 : i32 to index
      %get3A_392 = arith.constant 48 : index
      %get3A_393 = tpu.vector_load %arg15[%get3A_391, %get3A_392] {strides = array<i32>} : memref<128x64xf32, #tpu.memory_space<vmem>>, vector<1x16xf32>,
      %get3A_394 = vector.shape_cast %get3A_393 : vector<1x16xf32> to vector<16xf32>
      %get3A_395 = arith.index_cast %add3A_278 : i32 to index
      %get3A_396 = arith.constant 48 : index
      %get3A_397 = tpu.vector_load %arg16[%get3A_395, %get3A_396] {strides = array<i32>} : memref<128x64xf32, #tpu.memory_space<vmem>>, vector<1x16xf32>,
      %get3A_398 = vector.shape_cast %get3A_397 : vector<1x16xf32> to vector<16xf32>
      %mul3A_399 = arith.mulf %mul3A_382, %mul3A_384 : vector<16xf32>
      %add3A_400 = arith.addf %get3A_390, %mul3A_399 : vector<16xf32>
      %sub3A_401 = arith.subf %add3A_400, %get3A_394 : vector<16xf32>
      %mul3A_402 = arith.mulf %mul3A_382, %mul3A_386 : vector<16xf32>
      %add3A_403 = arith.addf %get3A_390, %mul3A_402 : vector<16xf32>
      %sub3A_404 = arith.subf %add3A_403, %get3A_398 : vector<16xf32>
      %mul3A_405 = arith.mulf %sub3A_401, %sub3A_401 : vector<16xf32>
      %add3A_406 = arith.constant 1.000000e+00 : f32
      %add3A_407 = vector.broadcast %add3A_406 : f32 to vector<16xf32>
      %add3A_408 = arith.addf %add3A_407, %mul3A_405 : vector<16xf32>
      %mul3A_409 = arith.mulf %sub3A_404, %sub3A_404 : vector<16xf32>
      %sub3A_410 = arith.subf %add3A_408, %mul3A_409 : vector<16xf32>
      %max3A_411 = arith.constant 0.000000e+00 : f32
      %max3A_412 = vector.broadcast %max3A_411 : f32 to vector<16xf32>
      %max3A_413 = arith.maximumf %sub3A_410, %max3A_412 : vector<16xf32>
      %add3A_414 = arith.addf %add3A_268, %max3A_413 : vector<16xf32>
      scf.yield %add3A_312, %add3A_346, %add3A_380, %add3A_414 : vector<16xf32>, vector<16xf32>, vector<16xf32>, vector<16xf32>
    }
    %scan3A_68 = arith.constant 64 : i32
    %add3A_69 = arith.addf %scan3A_67#0, %scan3A_67#1 : vector<16xf32>
    %add3A_70 = arith.addf %add3A_69, %scan3A_67#2 : vector<16xf32>
    %add3A_71 = arith.addf %add3A_70, %scan3A_67#3 : vector<16xf32>
    %swap3A = arith.constant 0 : i32
    %swap3A_72 = arith.index_cast %swap3A : i32 to index
    %swap3A_73 = arith.constant 0 : index
    %swap3A_74 = tpu.vector_load %arg23[%swap3A_72, %swap3A_73] {strides = array<i32>} : memref<1x16xf32, #tpu.memory_space<vmem>>, vector<1x16xf32>,
    %swap3A_75 = vector.shape_cast %swap3A_74 : vector<1x16xf32> to vector<16xf32>
    %swap3A_76 = vector.shape_cast %add3A_71 : vector<16xf32> to vector<1x16xf32>
    tpu.vector_store %arg23[%swap3A_72, %swap3A_73], %swap3A_76 {strides = array<i32>} : memref<1x16xf32, #tpu.memory_space<vmem>>, vector<1x16xf32>,
    "tpu.region"() ({
      %run_scoped3A = tpu.sem_alloc : memref<!tpu.dma_semaphore, #tpu.memory_space<semaphore_mem>>
      %dma_start3A_77 = arith.constant 0 : i32
      %dma_start3A_78 = tpu.memref_slice %arg10[%add3A, %dma_start3A_77] : memref<32x16xf32, #tpu.memory_space<hbm>> -> memref<1x16xf32, #tpu.memory_space<hbm>>
      %dma_start3A_79 = arith.constant 0 : i32
      %dma_start3A_80 = tpu.memref_slice %arg10[%add3A, %dma_start3A_79] : memref<32x16xf32, #tpu.memory_space<hbm>> -> memref<1x16xf32, #tpu.memory_space<hbm>>
      tpu.enqueue_dma source(%arg23 : memref<1x16xf32, #tpu.memory_space<vmem>>) target(%dma_start3A_80 : memref<1x16xf32, #tpu.memory_space<hbm>>) target_semaphore(%run_scoped3A : memref<!tpu.dma_semaphore, #tpu.memory_space<semaphore_mem>>)
      %dma_wait3A_81 = arith.constant 0 : i32
      %dma_wait3A_82 = tpu.memref_slice %arg10[%add3A, %dma_wait3A_81] : memref<32x16xf32, #tpu.memory_space<hbm>> -> memref<1x16xf32, #tpu.memory_space<hbm>>
      %dma_wait3A_83 = arith.constant 0 : i32
      %dma_wait3A_84 = tpu.memref_slice %arg10[%add3A, %dma_wait3A_83] : memref<32x16xf32, #tpu.memory_space<hbm>> -> memref<1x16xf32, #tpu.memory_space<hbm>>
      tpu.wait_dma2 semaphore(%run_scoped3A : memref<!tpu.dma_semaphore, #tpu.memory_space<semaphore_mem>>) src(%arg23 : memref<1x16xf32, #tpu.memory_space<vmem>>) dst(%dma_wait3A_84 : memref<1x16xf32, #tpu.memory_space<hbm>>)
      tpu.yield
    }) : () -> ()
    return
  }
}

</mosaic_0001>

<sc_bundles>
// kernel: kernel.3.cloned.1.call-start
scs
__scs_entry_jumppad:
0x0: {  	(pc) =	sbr.rel $0x88, $3  }
0x1: {  	(tag) =	ssettag $0x0;
	lr =	simm.s32 $0x1  }
0x2: {  	[smem:$0x3F99] =	sst lr;
	_ =	strace $0xD0000000  }
0x3: {  	_ = 	snop  }
0x4: {  	_ = 	snop  }
0x5: {  	_ = 	snop  }
0x6: {  	_ = 	snop  }
0x7: {  	_ = 	snop  }
__scs_overlays_trampoline_lowered:
0x8: {  	[smem:$0x3FA8] =	sst s0  }
0x9: {  	[smem:$0x3FA9] =	sst s1  }
0xa: {  	[smem:$0x3FAA] =	sst s2  }
0xb: {  	[smem:$0x3FAB] =	sst s3  }
0xc: {  	[smem:$0x3FAC] =	sst s4  }
0xd: {  	[smem:$0x3FAD] =	sst s5  }
0xe: {  	[smem:$0x3FAE] =	sst s6  }
0xf: {  	[smem:$0x3FAF] =	sst s7  }
0x10: {  	[smem:$0x3FB0] =	sst s8  }
0x11: {  	[smem:$0x3FB1] =	sst s9;
	s0 =	simm.s32 @!p0 $0x0  }
0x12: {  	s1 =	sld [smem:$0x3F97];
	s0 =	simm.s32 @p0 $0x1  }
0x13: {  	[smem:$0x3FB2] =	sst s0;
	s0 =	simm.s32 @!p1 $0x0  }
0x14: {  	s2 =	sld [smem:$0x3F96];
	s0 =	simm.s32 @p1 $0x1  }
0x15: {  	[smem:$0x3FB3] =	sst s0;
	s0 =	simm.s32 @!p2 $0x0  }
0x16: {  	s3 =	sld [smem:$0x3FDB];
	s0 =	simm.s32 @p2 $0x1  }
0x17: {  	s4 =	simm.s32 $0x1BF5;
	[smem:$0x3FB5] =	sst s0  }
0x18: {  	s0 =	sld [smem:$0x3F98];
	_ =	swait.ge [sflag:s4], $0x0  }
0x19: {  	s7 =	sld [smem:$0x3F99]  }
0x1a: {  	s8 =	sadd.s32 $0xFFFFE003, lr  }
0x1b: {  	s9 =	sadd.s32 $0xFFFFFEF7, lr;
	s5 =	simm.s32 $0xFFFFFFFF;
	p2 =	slt.u32 s8, $0xFFFFF086  }
0x1c: {  	p1 =	slt.u32 s9, $0xF7A;
	s5 =	simm.s32 @!p2 $0x0  }
0x1d: {  	s5 =	simm.s32 @p1 $0x1;
	p0 =	seq.s32 s7, s2  }
0x1e: {  	s7 =	smul.u32 @!p0 $0xF7A, s2;
	p2 =	seq.s32 @!p0 s5, $0x0  }
0x1f: {  	s9 =	smul.u32 $0xF7A, s1;
	s8 =	simm.s32 @!p0 $0x1BF5;
	p2 =	por !p2, p0  }
0x20: {  	[sflag:s8] =	ssyncset.s32 @!p0 $0xFFFFF086;
	s6 =	sadd.s32 @!p0 s3, s7;
	s7 =	simm.s32 @!p0 $0x108  }
0x21: {  	s3 =	sadd.s32 s3, s9;
	s6 =	sadd.s32 @!p0 $0x88, s6;
	s7 =	simm.s32 @p2 $0x1082  }
0x22: {  	[simem:s7], [sflag:s8] =	dma.local @!p0 [hbm:s6], $0xF7A  }
0x23: {  	s9 =	sor.u32 $0xD0000000, s2;
	s6 =	simm.s32 $0x108;
	_ =	swait.ge @!p0 [sflag:s8], $0x0  }
0x24: {  	s3 =	sadd.s32 $0x88, s3;
	s6 =	simm.s32 @!p1 $0x1082;
	[sflag:s4] =	ssyncset.s32 $0xFFFFF086  }
0x25: {  	[simem:s6], [sflag:s4] =	dma.local [hbm:s3], $0xF7A  }
0x26: {  	[smem:$0x3F99] =	sst s1;
	(tag) =	ssettag s2;
	_ =	strace s9  }
0x27: {  	s1 =	sld [smem:$0x3FA9]  }
0x28: {  	s2 =	sld [smem:$0x3FAA]  }
0x29: {  	s4 =	sld [smem:$0x3FAC]  }
0x2a: {  	p0 =	seq.s32 s5, $0x0;
	s5 =	sld [smem:$0x3FAD]  }
0x2b: {  	s6 =	sld [smem:$0x3FAE]  }
0x2c: {  	s7 =	sld [smem:$0x3FAF]  }
0x2d: {  	s3 =	simm.s32 $0x108;
	s8 =	sld [smem:$0x3FB0]  }
0x2e: {  	s3 =	simm.s32 @!p0 $0x1082;
	s9 =	sld [smem:$0x3FB1]  }
0x2f: {  	lr =	sadd.s32 s0, s3;
	s0 =	sld [smem:$0x3FA8]  }
0x30: {  	s3 =	sld [smem:$0x3FAB]  }
0x31: {  	[smem:$0x3FB4] =	sst s10  }
0x32: {  	s10 =	sld [smem:$0x3FB2];
	_ =	sdelay $0x3  }
0x33: {  	p0 =	seq.s32 s10, $0x1;
	s10 =	sld [smem:$0x3FB4];
	_ =	sdelay $0x3  }
0x34: {  	[smem:$0x3FB4] =	sst s10  }
0x35: {  	s10 =	sld [smem:$0x3FB3];
	_ =	sdelay $0x3  }
0x36: {  	p1 =	seq.s32 s10, $0x1;
	s10 =	sld [smem:$0x3FB4];
	_ =	sdelay $0x3  }
0x37: {  	[smem:$0x3FB4] =	sst s10  }
0x38: {  	s10 =	sld [smem:$0x3FB5]  }
0x39: {  	_ = 	snop;
	(pc) =	sbr.ind lr, $3  }
0x3a: {  	_ = 	snop  }
0x3b: {  	_ = 	snop  }
0x3c: {  	p2 =	seq.s32 s10, $0x1;
	s10 =	sld [smem:$0x3FB4]  }
0x3d: {  	_ =	shalt  }
0x3e: {  	_ =	shalt  }
0x3f: {  	_ =	shalt  }
0x40: {  	_ =	shalt  }
0x41: {  	_ =	shalt  }
0x42: {  	_ =	shalt  }
0x43: {  	_ =	shalt  }
0x44: {  	_ =	shalt  }
0x45: {  	_ =	shalt  }
0x46: {  	_ =	shalt  }
0x47: {  	_ =	shalt  }
0x48: {  	_ =	shalt  }
0x49: {  	_ =	shalt  }
0x4a: {  	_ =	shalt  }
0x4b: {  	_ =	shalt  }
0x4c: {  	_ =	shalt  }
0x4d: {  	_ =	shalt  }
0x4e: {  	_ =	shalt  }
0x4f: {  	_ =	shalt  }
0x50: {  	_ =	shalt  }
0x51: {  	_ =	shalt  }
0x52: {  	_ =	shalt  }
0x53: {  	_ =	shalt  }
0x54: {  	_ =	shalt  }
0x55: {  	_ =	shalt  }
0x56: {  	_ =	shalt  }
0x57: {  	_ =	shalt  }
0x58: {  	_ =	shalt  }
0x59: {  	_ =	shalt  }
0x5a: {  	_ =	shalt  }
0x5b: {  	_ =	shalt  }
0x5c: {  	_ =	shalt  }
0x5d: {  	_ =	shalt  }
0x5e: {  	_ =	shalt  }
0x5f: {  	_ =	shalt  }
0x60: {  	_ =	shalt  }
0x61: {  	_ =	shalt  }
0x62: {  	_ =	shalt  }
0x63: {  	_ =	shalt  }
0x64: {  	_ =	shalt  }
0x65: {  	_ =	shalt  }
0x66: {  	_ =	shalt  }
0x67: {  	_ =	shalt  }
0x68: {  	_ =	shalt  }
0x69: {  	_ =	shalt  }
0x6a: {  	_ =	shalt  }
0x6b: {  	_ =	shalt  }
0x6c: {  	_ =	shalt  }
0x6d: {  	_ =	shalt  }
0x6e: {  	_ =	shalt  }
0x6f: {  	_ =	shalt  }
0x70: {  	_ =	shalt  }
0x71: {  	_ =	shalt  }
0x72: {  	_ =	shalt  }
0x73: {  	_ =	shalt  }
0x74: {  	_ =	shalt  }
0x75: {  	_ =	shalt  }
0x76: {  	_ =	shalt  }
0x77: {  	_ =	shalt  }
0x78: {  	_ =	shalt  }
0x79: {  	_ =	shalt  }
0x7a: {  	_ =	shalt  }
0x7b: {  	_ =	shalt  }
0x7c: {  	_ =	shalt  }
0x7d: {  	_ =	shalt  }
0x7e: {  	_ =	shalt  }
0x7f: {  	_ =	shalt  }
0x80: {  	_ =	shalt  }
0x81: {  	_ =	shalt  }
0x82: {  	_ =	shalt  }
0x83: {  	_ =	shalt  }
0x84: {  	_ =	shalt  }
0x85: {  	_ =	shalt  }
0x86: {  	_ =	shalt  }
0x87: {  	_ =	shalt  }
.Lfunc_end0:
.L_simem_size_0:
called_computation_lowered:
.L_overlay_start_0:
0x88: {  	s2 =	sld [smem:$0x3FD9]  }
0x89: {  	s3 =	sld [smem:$0x3FFE];
	_ =	sdelay $0x1  }
0x8a: {  	s1 =	srdreg.scid  }
0x8b: {  	s0 =	sand.u32 $0x1, s1  }
0x8c: {  	s17 =	sshll.u32 s0, $0xA;
	s2 =	sadd.s32 s3, s2  }
0x8d: {  	s2 =	sadd.s32 s2, s17  }
0x8e: {  	[smem:$0x3FC0] =	sst s2  }
0x8f: {  	_ = 	snop  }
0x90: {  	s2 =	sld [smem:$0x3FC9]  }
0x91: {  	s18 =	sld [smem:$0x3FC8]  }
0x92: {  	s4 =	sld [smem:$0x3FC7];
	(tm) =	ssettm $0x1  }
0x93: {  	s5 =	sld [smem:$0x3FFB];
	_ =	sdelay $0x3  }
0x94: {  	_ =	strace s5  }
0x95: {  	s5 =	sld [smem:$0x3FFC];
	_ =	sdelay $0x3  }
0x96: {  	_ =	strace s5  }
0x97: {  	s5 =	sld [smem:$0x3FFD];
	_ =	sdelay $0x3  }
0x98: {  	_ =	strace s5  }
0x99: {  	_ =	strace $0x8FFFFFFF  }
0x9a: {  	s19 =	sld [smem:$0x3FDB];
	_ =	sdelay $0x1  }
0x9b: {  	s6 =	simm.s32 $_scs_section_size  }
0x9c: {  	s7 =	simm.s32 $_size__tile_overlayer_lowered;
	s8 =	simm.s32 $_tile_overlayer_lowered  }
0x9d: {  	s22 =	simm.s32 $0x1BFF;
	s21 =	sshll.u32 s8, $0x1;
	s5 =	sadd.s32 s6, s19  }
0x9e: {  	s9 =	simm.s32 $0x0;
	s20 =	sshll.u32 s7, $0x1;
	s7 =	sadd.s32 s21, s5  }
0x9f: {  	[timem:s9], [sflag:s22] =	dma.local [hbm:s7], s20  }
0xa0: {  	_ =	swait.ge [sflag:s22], s20  }
0xa1: {  	s6 =	ssub.s32 $0x0, s20;
	[sflag:s22] =	ssyncset.done $0x0  }
0xa2: {  	[sflag:s22] =	ssyncadd.s32 s6;
	_ =	sdelay $0x1  }
0xa3: {  	s23 =	simm.s32 $0x1B8B  }
0xa4: {  	_ =	swait.ge [sflag:s23], $0x1  }
0xa5: {  	[sflag:s23] =	ssyncset.done $0x0  }
0xa6: {  	s25 =	simm.s32 $0x1B8E;
	s24 =	sld [smem:$0x3FFE];
	[sflag:s23] =	ssyncadd.s32 $0xFFFFFFFF  }
0xa7: {  	s26 =	simm.s32 $execute0_lowered;
	[smem:$0x3FD2] =	sst s25  }
0xa8: {  	s7 =	sshll.u32 s26, $0x1;
	_ =	strace $0x80000046;
	[dreg:$0x1] =	wrdreg $0xFFFFFFFF  }
0xa9: {  	s28 =	simm.s32 $_size_execute0_lowered;
	s5 =	sadd.s32 s5, s7;
	[dreg:$0x0] =	wrdreg $0x0  }
0xaa: {  	s7 =	sshll.u32 s28, $0x1;
	[dreg:$0x2] =	wrdreg s5  }
0xab: {  	[dreg:$0x3] =	wrdreg s7  }
0xac: {  	[dreg:$0x4] =	wrdreg $0xC0  }
0xad: {  	_ =	task [dreg:s9], $0x5FFFF  }
0xae: {  	[dreg:$0x1] =	wrdreg $0xFFFFFFFF  }
0xaf: {  	[dreg:$0x0] =	wrdreg $0x60  }
0xb0: {  	[dreg:$0x2] =	wrdreg s2  }
0xb1: {  	[dreg:$0x3] =	wrdreg s18  }
0xb2: {  	[dreg:$0x4] =	wrdreg s4  }
0xb3: {  	[dreg:$0x5] =	wrdreg s24  }
0xb4: {  	[dreg:$0x6] =	wrdreg $0x9  }
0xb5: {  	_ =	task.clear_ibuf [dreg:s9], $0x7FFFF;
	_ =	strace $0x90000046  }
0xb6: {  	s29 =	simm.s32 $0x9;
	_ =	strace $0x80000048  }
0xb7: {  	_ =	swait.ge [sflag:s29], $0x1  }
0xb8: {  	[sflag:s29] =	ssyncadd.s32 $0xFFFFFFFF  }
0xb9: {  	_ =	strace $0x90000048  }
0xba: {  	_ =	sfence  }
0xbb: {  	s30 =	sld [smem:$0x0];
	_ =	sdelay $0x2  }
0xbc: {  	s31 =	sshll.u32 s1, $0xD;
	s1 =	sshrl.u32 s1, $0x2  }
0xbd: {  	s3 =	sand.u32 $0x4000, s31;
	s1 =	sadd.s32 s1, s30  }
0xbe: {  	s0 =	sor.u32 s3, s0;
	s1 =	sshll.u32 s1, $0x11  }
0xbf: {  	s0 =	sor.u32 s1, s0  }
0xc0: {  	s0 =	sadd.s32 $0x8F2B, s0  }
0xc1: {  	[sflag:s0] =	ssyncadd.remote.s32 $0x1  }
0xc2: {  	_ =	sfence.sel $0xFFFF  }
0xc3: {  	[dreg:$0x0] =	wrdreg $0xFFFFFFFF;
	(pc) =	sbr.abs _section_cstart, $3  }
0xc4: {  	[dreg:$0x1] =	wrdreg $0xFFFFFFFF  }
0xc5: {  	_ =	task.clear_ibuf [dreg:s9], $0x2FFFF;
	_ =	strace $0x9FFFFFFF  }
0xc6: {  	(tm) =	ssettm $0x7FFFFFFF  }
0xc7: {  	_ =	shalt  }
tec
execute0_lowered:
.L_overlay_start_1:
0x0: {  	(tag) =	ssettag $0x1  }
0x1: {  	s0 =	rddreg [dreg:$0x0]  }
0x2: {  	s1 =	rddreg [dreg:$0x1]  }
0x3: {  	s7 =	rddreg [dreg:$0x2];
	s2 =	srdreg.scid  }
0x4: {  	s3 =	stileid.u32;
	s5 =	rddreg [dreg:$0x3]  }
0x5: {  	s14 =	simm.s32 $0x80;
	s15 =	simm.s32 $0x100;
	s19 =	simm.s32 $0x6180  }
0x6: {  	s20 =	simm.s32 $0x7B80;
	s21 =	simm.s32 $0x9580;
	s22 =	simm.s32 $0x64  }
0x7: {  	s24 =	simm.s32 $0xE180;
	s25 =	simm.s32 $0x11380;
	s26 =	simm.s32 $0x1  }
0x8: {  	s28 =	simm.s32 $0x14580;
	s4 =	sand.u32 $0x1, s2;
	s3 =	sshll.u32 s3, $0x1  }
0x9: {  	s29 =	simm.s32 $0x0;
	s2 =	simm.s32 $0x0;
	s6 =	sor.u32 s4, s3  }
0xa: {  	[smem:$0x7FF] =	sst s2;
	s8 =	ssub.s32 $0x2, s4;
	s4 =	sadd.s32 $0xF42A00, s5  }
0xb: {  	s3 =	smul.u32 $0x340, s6;
	_ =	strace $0x80000047;
	s9 =	sshll.u32 s6, $0x1  }
0xc: {  	s11 =	sshrl.u32 s8, $0x1;
	s31 =	sshll.u32 s6, $0x4;
	s12 =	sadd.s32 s9, s5  }
0xd: {  	s13 =	ssub.s32 s8, s11;
	s6 =	sadd.s32 s1, s31;
	s7 =	sadd.s32 s7, s31  }
0xe: {  	s10 =	sadd.s32 s3, s5;
	s3 =	sadd.s32 $0x16E3C00, s5;
	s5 =	sadd.s32 s0, s31  }
0xf: {  	s11 =	sadd.s32 $0x13E00, s12;
	s12 =	smax.u32 s13, $0x1;
	s13 =	simm.s32 $0x4  }
0x10: {  	s8 =	sadd.s32 $0xD600, s10;
	s9 =	sadd.s32 $0x6E00, s10;
	s10 =	sadd.s32 $0x600, s10  }
.LBB2_1:
0x11: {  	[tilespmem:s2], [sflag:$0x4] =	stream.linear.gather [hbm4b:s5+s2], $0x80, $0x38;
	[tilespmem:$0x14590] =	vst v63  }
0x12: {  	_ =	swait.ge [sflag:s13], $0x80  }
0x13: {  	[sflag:s13] =	ssyncset.done $0x0  }
0x14: {  	[sflag:s13] =	ssyncadd.s32 $0xFFFFFF80  }
0x15: {  	[tilespmem:s14], [sflag:$0x4] =	stream.linear.gather [hbm4b:s6+s2], $0x80, $0x38;
	[tilespmem:$0x14590] =	vst v63  }
0x16: {  	_ =	swait.ge [sflag:s13], $0x80  }
0x17: {  	[sflag:s13] =	ssyncset.done $0x0  }
0x18: {  	[sflag:s13] =	ssyncadd.s32 $0xFFFFFF80  }
0x19: {  	[tilespmem:s15], [sflag:$0x4] =	stream.linear.gather [hbm4b:s7+s2], $0x80, $0x38;
	[tilespmem:$0x14590] =	vst v63  }
0x1a: {  	_ =	swait.ge [sflag:s13], $0x80  }
0x1b: {  	[sflag:s13] =	ssyncset.done $0x0  }
0x1c: {  	s0 =	simm.s32 $0x180;
	[sflag:s13] =	ssyncadd.s32 $0xFFFFFF80  }
0x1d: {  	[tilespmem:s0], [sflag:$0x1] =	stream.indirect.gather [hbm4b:s3+s14], $0x40, s2, s14, $0xb8;
	[tilespmem:$0x14590] =	vst v63  }
0x1e: {  	s18 =	simm.s32 $0x2180  }
0x1f: {  	[tilespmem:s18], [sflag:$0x1] =	stream.indirect.gather [hbm4b:s4+s14], $0x40, s14, s14, $0xb8;
	[tilespmem:$0x14590] =	vst v63  }
0x20: {  	s23 =	simm.s32 $0x4180  }
0x21: {  	[tilespmem:s23], [sflag:$0x1] =	stream.indirect.gather [hbm4b:s4+s14], $0x40, s15, s14, $0xb8;
	[tilespmem:$0x14590] =	vst v63  }
0x22: {  	_ = 	snop  }
0x23: {  	[tilespmem:s19], [sflag:$0x4] =	stream.linear.gather [hbm4b:s8+s2], $0x1A00, $0x38;
	[tilespmem:$0x14590] =	vst v63  }
0x24: {  	_ =	swait.ge [sflag:s13], $0x1A00  }
0x25: {  	[sflag:s13] =	ssyncset.done $0x0  }
0x26: {  	[sflag:s13] =	ssyncadd.s32 $0xFFFFE600  }
0x27: {  	[tilespmem:s20], [sflag:$0x4] =	stream.linear.gather [hbm4b:s9+s2], $0x1A00, $0x38;
	[tilespmem:$0x14590] =	vst v63  }
0x28: {  	_ =	swait.ge [sflag:s13], $0x1A00  }
0x29: {  	[sflag:s13] =	ssyncset.done $0x0  }
0x2a: {  	[sflag:s13] =	ssyncadd.s32 $0xFFFFE600  }
0x2b: {  	[tilespmem:s21], [sflag:$0x4] =	stream.linear.gather [hbm4b:s10+s2], $0x1A00, $0x38;
	[tilespmem:$0x14590] =	vst v63  }
0x2c: {  	_ =	swait.ge [sflag:s13], $0x1A00  }
0x2d: {  	[sflag:s13] =	ssyncset.done $0x0  }
0x2e: {  	s30 =	simm.s32 $0xAF80;
	[sflag:s13] =	ssyncadd.s32 $0xFFFFE600  }
0x2f: {  	[tilespmem:s30], [sflag:$0x2] =	stream.indirect.gather [hbm4b:s4+s22], $0x40, s19, s22, $0xb8;
	[tilespmem:$0x14590] =	vst v63  }
0x30: {  	_ = 	snop  }
0x31: {  	[tilespmem:s24], [sflag:$0x2] =	stream.indirect.gather [hbm4b:s3+s22], $0x40, s20, s22, $0xb8;
	[tilespmem:$0x14590] =	vst v63  }
0x32: {  	_ = 	snop  }
0x33: {  	[tilespmem:s25], [sflag:$0x2] =	stream.indirect.gather [hbm4b:s3+s22], $0x40, s21, s22, $0xb8;
	[tilespmem:$0x14590] =	vst v63  }
0x34: {  	_ =	swait.ge [sflag:s26], $0x2000  }
0x35: {  	[sflag:s26] =	ssyncset.done $0x0  }
0x36: {  	[sflag:s26] =	ssyncadd.s32 $0xFFFFE000  }
0x37: {  	_ =	swait.ge [sflag:s26], $0x2000  }
0x38: {  	[sflag:s26] =	ssyncset.done $0x0  }
0x39: {  	[sflag:s26] =	ssyncadd.s32 $0xFFFFE000  }
0x3a: {  	_ =	swait.ge [sflag:s26], $0x2000  }
0x3b: {  	v0 =	vimm.f32 $0.0e+00;
	v1 =	vimm.f32 $0.0e+00;
	[sflag:s26] =	ssyncset.done $0x0  }
0x3c: {  	p0 =	por $0x0, $0x0;
	v2 =	vimm.f32 $0.0e+00;
	v3 =	vimm.f32 $0.0e+00;
	v4 =	vimm.f32 $0.0e+00;
	s31 =	simm.s32 $0x0;
	[sflag:s26] =	ssyncadd.s32 $0xFFFFE000  }
.LBB2_2:
0x3d: {  	s30 =	sadd.s32 $0x1, s31;
	p1 =	seq.s32 s31, $0x3F  }
0x3e: {  	s0 =	sand.u32 @!p1 $0x1, s30;
	s16 =	smul.u32 @!p1 $0x68, s30  }
0x3f: {  	s1 =	smul.u32 @!p1 $0x1900, s0  }
0x40: {  	s23 =	simm.s32 @!p1 $0x64  }
0x41: {  	s0 =	sor.u32 @!p1 $0x2, s0;
	s18 =	sadd.s32 @!p1 $0x6180, s16;
	s17 =	sadd.s32 @!p1 $0xAF80, s1  }
0x42: {  	[tilespmem:s17], [sflag:s0] =	stream.indirect.gather @!p1 [hbm4b:s4+s23], $0x40, s18, s23, $0xb8;
	[tilespmem:$0x14590] =	vst v63  }
0x43: {  	s17 =	sadd.s32 @!p1 $0xE180, s1;
	s18 =	sadd.s32 @!p1 $0x7B80, s16  }
0x44: {  	[tilespmem:s17], [sflag:s0] =	stream.indirect.gather @!p1 [hbm4b:s3+s23], $0x40, s18, s23, $0xb8;
	[tilespmem:$0x14590] =	vst v63  }
0x45: {  	s1 =	sadd.s32 @!p1 $0x11380, s1;
	s16 =	sadd.s32 @!p1 $0x9580, s16  }
0x46: {  	[tilespmem:s1], [sflag:s0] =	stream.indirect.gather @!p1 [hbm4b:s3+s23], $0x40, s16, s23, $0xb8;
	[tilespmem:$0x14590] =	vst v63  }
0x47: {  	s18 =	sand.u32 $0x1, s31;
	s0 =	simm.s32 $0x1  }
0x48: {  	s1 =	sor.u32 $0x2, s18;
	s0 =	simm.s32 @!p0 $0x0  }
0x49: {  	_ =	swait.ge [sflag:s1], $0x1900;
	s0 =	smul.u32 $0x6400, s0  }
0x4a: {  	[sflag:s1] =	ssyncset.done $0x0  }
0x4b: {  	[sflag:s1] =	ssyncadd.s32 $0xFFFFE700;
	s16 =	sshrl.u32 s0, $0x2  }
0x4c: {  	_ =	swait.ge [sflag:s1], $0x1900;
	s0 =	sadd.s32 $0x113B0, s16  }
0x4d: {  	s23 =	sadd.s32 $0xAFA0, s16;
	[sflag:s1] =	ssyncset.done $0x0;
	v5 =	vmov s0  }
0x4e: {  	[sflag:s1] =	ssyncadd.s32 $0xFFFFE700;
	v6 =	vmov s23  }
0x4f: {  	_ =	swait.ge [sflag:s1], $0x1900  }
0x50: {  	[sflag:s1] =	ssyncset.done $0x0  }
0x51: {  	s18 =	sadd.s32 $0xE1B0, s16;
	s23 =	simm.s32 $0x0;
	[sflag:s1] =	ssyncadd.s32 $0xFFFFE700  }
0x52: {  	v7 =	vmov s18;
	v8 =	vld.idx.msk [tilespmem:v5+s23+$0x0 ss:$0x1], $0xffff  }
0x53: {  	v9 =	vld.idx.msk [tilespmem:v6+s23+$0xFFFFFFE0 ss:$0x1], $0xffff  }
0x54: {  	v10 =	vld.idx.msk [tilespmem:v6+s23+$0xFFFFFFF0 ss:$0x1], $0xffff  }
0x55: {  	v11 =	vld.idx.msk [tilespmem:v6+s23+$0x0 ss:$0x1], $0xffff  }
0x56: {  	v12 =	vld.idx.msk [tilespmem:v6+s23+$0x10 ss:$0x1], $0xffff  }
0x57: {  	v13 =	vld.idx.msk [tilespmem:v7+s23+$0xFFFFFFD0 ss:$0x1], $0xffff  }
0x58: {  	v31 =	vld.idx.msk [tilespmem:v7+s23+$0xFFFFFFE0 ss:$0x1], $0xffff  }
0x59: {  	v32 =	vld.idx.msk [tilespmem:v7+s23+$0xFFFFFFF0 ss:$0x1], $0xffff  }
0x5a: {  	v28 =	vimm.f32 $0.0e+00;
	v24 =	vimm.f32 $0.0e+00;
	v25 =	vimm.f32 $0.0e+00;
	v34 =	vld.idx.msk [tilespmem:v7+s23+$0x0 ss:$0x1], $0xffff  }
0x5b: {  	v29 =	vimm.f32 $0.0e+00;
	v33 =	vld.idx.msk [tilespmem:v5+s23+$0xFFFFFFD0 ss:$0x1], $0xffff;
	v14 =	vadd.f32 v8, v0;
	v19 =	vadd.f32 v9, v0  }
0x5c: {  	v30 =	vimm.f32 $0.0e+00;
	s17 =	simm.s32 $0x40;
	s0 =	sadd.s32 $0xBC00, s16;
	v35 =	vld.idx.msk [tilespmem:v5+s23+$0xFFFFFFE0 ss:$0x1], $0xffff;
	v20 =	vadd.f32 v10, v0;
	v21 =	vadd.f32 v11, v0  }
0x5d: {  	v26 =	vimm.f32 $0.0e+00;
	s18 =	simm.s32 $0x200;
	s1 =	sadd.s32 $0xEE00, s16;
	s16 =	sor.u32 $0x12000, s16;
	v36 =	vld.idx.msk [tilespmem:v5+s23+$0xFFFFFFF0 ss:$0x1], $0xffff;
	v23 =	vadd.f32 v12, v0;
	v22 =	vadd.f32 v13, v0  }
.LBB2_3:
0x5e: {  	p1 =	sne.s32 s18, $0x3100;
	v8 =	vld.idx.msk [tilespmem:v5+s17+$0x0 ss:$0x1], $0xffff;
	v28 =	vadd.f32 v31, v28  }
0x5f: {  	v24 =	vadd.f32 v32, v24;
	v9 =	vld.idx.msk [tilespmem:v6+s17+$0xFFFFFFE0 ss:$0x1], $0xffff  }
0x60: {  	v25 =	vadd.f32 v34, v25;
	v10 =	vld.idx.msk [tilespmem:v6+s17+$0xFFFFFFF0 ss:$0x1], $0xffff  }
0x61: {  	v29 =	vadd.f32 v33, v29;
	v11 =	vld.idx.msk [tilespmem:v6+s17+$0x0 ss:$0x1], $0xffff  }
0x62: {  	v30 =	vadd.f32 v35, v30;
	v12 =	vld.idx.msk [tilespmem:v6+s17+$0x10 ss:$0x1], $0xffff  }
0x63: {  	v26 =	vadd.f32 v36, v26;
	v13 =	vld.idx.msk [tilespmem:v7+s17+$0xFFFFFFD0 ss:$0x1], $0xffff  }
0x64: {  	v14 =	vadd.f32 v8, v14;
	v31 =	vld.idx.msk [tilespmem:v7+s17+$0xFFFFFFE0 ss:$0x1], $0xffff  }
.Ltmp0:
0x65: {  	v19 =	vadd.f32 v9, v19;
	v32 =	vld.idx.msk [tilespmem:v7+s17+$0xFFFFFFF0 ss:$0x1], $0xffff;
	(pc) =	sbr.rel @p1 .LBB2_3-.Ltmp0, $4  }
0x66: {  	v20 =	vadd.f32 v10, v20;
	v34 =	vld.idx.msk [tilespmem:v7+s17+$0x0 ss:$0x1], $0xffff  }
0x67: {  	v21 =	vadd.f32 v11, v21;
	v33 =	vld.idx.msk [tilespmem:v5+s17+$0xFFFFFFD0 ss:$0x1], $0xffff  }
0x68: {  	v23 =	vadd.f32 v12, v23;
	v35 =	vld.idx.msk [tilespmem:v5+s17+$0xFFFFFFE0 ss:$0x1], $0xffff  }
0x69: {  	v22 =	vadd.f32 v13, v22;
	v36 =	vld.idx.msk [tilespmem:v5+s17+$0xFFFFFFF0 ss:$0x1], $0xffff;
	s17 =	sshra.s32 s18, $0x2;
	s18 =	sadd.s32 $0x100, s18  }
0x6a: {  	_ =	sdelay $0x3  }
0x6b: {  	v37 =	vld.idx.msk [tilespmem:v5+s17+$0x0 ss:$0x1], $0xffff  }
0x6c: {  	v38 =	vld.idx.msk [tilespmem:v6+s17+$0xFFFFFFE0 ss:$0x1], $0xffff  }
0x6d: {  	v39 =	vld.idx.msk [tilespmem:v6+s17+$0xFFFFFFF0 ss:$0x1], $0xffff  }
0x6e: {  	v40 =	vld.idx.msk [tilespmem:v6+s17+$0x0 ss:$0x1], $0xffff  }
0x6f: {  	v41 =	vld.idx.msk [tilespmem:v6+s17+$0x10 ss:$0x1], $0xffff  }
0x70: {  	v42 =	vld.idx.msk [tilespmem:v7+s17+$0xFFFFFFD0 ss:$0x1], $0xffff  }
0x71: {  	v43 =	vld.idx.msk [tilespmem:v7+s17+$0xFFFFFFE0 ss:$0x1], $0xffff  }
0x72: {  	v44 =	vld.idx.msk [tilespmem:v7+s17+$0xFFFFFFF0 ss:$0x1], $0xffff  }
0x73: {  	v45 =	vld.idx.msk [tilespmem:v7+s17+$0x0 ss:$0x1], $0xffff  }
0x74: {  	v46 =	vld.idx.msk [tilespmem:v5+s17+$0xFFFFFFD0 ss:$0x1], $0xffff  }
0x75: {  	v47 =	vld.idx.msk [tilespmem:v5+s17+$0xFFFFFFE0 ss:$0x1], $0xffff  }
0x76: {  	v48 =	vld.idx.msk [tilespmem:v5+s17+$0xFFFFFFF0 ss:$0x1], $0xffff;
	s31 =	sshll.u32 s31, $0x7  }
0x77: {  	v16 =	vld [tilespmem:s31+$0x180]  }
0x78: {  	v17 =	vld [tilespmem:s31+$0x2180]  }
0x79: {  	v15 =	vld [tilespmem:s31+$0x4180]  }
0x7a: {  	v13 =	vld [tilespmem:s31+$0x190]  }
0x7b: {  	v11 =	vld [tilespmem:s31+$0x2190]  }
0x7c: {  	v12 =	vld [tilespmem:s31+$0x4190]  }
0x7d: {  	v9 =	vld [tilespmem:s31+$0x1A0]  }
0x7e: {  	v18 =	vmov s16;
	v10 =	vld [tilespmem:s31+$0x21A0]  }
0x7f: {  	v27 =	vmov s0;
	v5 =	vld [tilespmem:s31+$0x41A0]  }
0x80: {  	v8 =	vld [tilespmem:s31+$0x1B0]  }
0x81: {  	v6 =	vld [tilespmem:s31+$0x21B0]  }
0x82: {  	v28 =	vadd.f32 v31, v28;
	s23 =	simm.s32 $0x0;
	v7 =	vld [tilespmem:s31+$0x41B0]  }
0x83: {  	v31 =	vadd.f32 v32, v24;
	v56 =	vadd.f32 v34, v25;
	v58 =	vld.idx.msk [tilespmem:v18+s23+$0x30 ss:$0x1], $0xffff  }
0x84: {  	v25 =	vmov s1;
	v33 =	vadd.f32 v33, v29;
	v57 =	vadd.f32 v35, v30;
	v59 =	vld.idx.msk [tilespmem:v27+s23+$0x0 ss:$0x1], $0xffff  }
0x85: {  	v36 =	vadd.f32 v36, v26;
	v14 =	vadd.f32 v37, v14;
	v60 =	vld.idx.msk [tilespmem:v27+s23+$0x10 ss:$0x1], $0xffff  }
0x86: {  	v29 =	vadd.f32 v38, v19;
	v24 =	vadd.f32 v39, v20;
	v61 =	vld.idx.msk [tilespmem:v27+s23+$0x20 ss:$0x1], $0xffff  }
0x87: {  	v21 =	vadd.f32 v40, v21;
	v19 =	vadd.f32 v41, v23;
	v62 =	vld.idx.msk [tilespmem:v27+s23+$0x30 ss:$0x1], $0xffff  }
0x88: {  	v26 =	vadd.f32 v43, v28;
	v28 =	vadd.f32 v47, v57;
	v47 =	vld.idx.msk [tilespmem:v18+s23+$0x0 ss:$0x1], $0xffff  }
0x89: {  	v30 =	vadd.f32 v42, v22;
	v22 =	vadd.f32 v44, v31;
	v63 =	vld.idx.msk [tilespmem:v25+s23+$0x0 ss:$0x1], $0xffff  }
0x8a: {  	v20 =	vadd.f32 v45, v56;
	v31 =	vadd.f32 v46, v33;
	v38 =	vimm.f32 $0.0e+00;
	v44 =	vld.idx.msk [tilespmem:v25+s23+$0x10 ss:$0x1], $0xffff  }
0x8b: {  	v39 =	vimm.f32 $0.0e+00;
	v40 =	vimm.f32 $0.0e+00;
	v23 =	vadd.f32 v48, v36;
	v45 =	vld.idx.msk [tilespmem:v25+s23+$0x20 ss:$0x1], $0xffff  }
0x8c: {  	v42 =	vimm.f32 $0.0e+00;
	v46 =	vld.idx.msk [tilespmem:v25+s23+$0x30 ss:$0x1], $0xffff;
	v36 =	vadd.f32 v58, v38;
	v37 =	vadd.f32 v59, v38  }
0x8d: {  	v49 =	vld.idx.msk [tilespmem:v18+s23+$0x20 ss:$0x1], $0xffff;
	v43 =	vimm.f32 $0.0e+00;
	v33 =	vadd.f32 v60, v38;
	v34 =	vadd.f32 v61, v38  }
0x8e: {  	s0 =	simm.s32 $0x200;
	s1 =	simm.s32 $0x40;
	v41 =	vimm.f32 $0.0e+00;
	v48 =	vld.idx.msk [tilespmem:v18+s23+$0x10 ss:$0x1], $0xffff;
	v35 =	vadd.f32 v62, v38;
	v32 =	vadd.f32 v63, v38  }
.LBB2_5:
0x8f: {  	p1 =	sne.s32 s0, $0x3100;
	v50 =	vld.idx.msk [tilespmem:v18+s1+$0x30 ss:$0x1], $0xffff;
	v38 =	vadd.f32 v44, v38  }
0x90: {  	v39 =	vadd.f32 v45, v39;
	v51 =	vld.idx.msk [tilespmem:v27+s1+$0x0 ss:$0x1], $0xffff  }
0x91: {  	v40 =	vadd.f32 v46, v40;
	v52 =	vld.idx.msk [tilespmem:v27+s1+$0x10 ss:$0x1], $0xffff  }
0x92: {  	v42 =	vadd.f32 v47, v42;
	v53 =	vld.idx.msk [tilespmem:v27+s1+$0x20 ss:$0x1], $0xffff  }
0x93: {  	v43 =	vadd.f32 v48, v43;
	v54 =	vld.idx.msk [tilespmem:v27+s1+$0x30 ss:$0x1], $0xffff  }
0x94: {  	v41 =	vadd.f32 v49, v41;
	v55 =	vld.idx.msk [tilespmem:v25+s1+$0x0 ss:$0x1], $0xffff  }
0x95: {  	v36 =	vadd.f32 v50, v36;
	v44 =	vld.idx.msk [tilespmem:v25+s1+$0x10 ss:$0x1], $0xffff  }
.Ltmp1:
0x96: {  	v37 =	vadd.f32 v51, v37;
	v45 =	vld.idx.msk [tilespmem:v25+s1+$0x20 ss:$0x1], $0xffff;
	(pc) =	sbr.rel @p1 .LBB2_5-.Ltmp1, $4  }
0x97: {  	v33 =	vadd.f32 v52, v33;
	v46 =	vld.idx.msk [tilespmem:v25+s1+$0x30 ss:$0x1], $0xffff  }
0x98: {  	v34 =	vadd.f32 v53, v34;
	v47 =	vld.idx.msk [tilespmem:v18+s1+$0x0 ss:$0x1], $0xffff  }
0x99: {  	v35 =	vadd.f32 v54, v35;
	v48 =	vld.idx.msk [tilespmem:v18+s1+$0x10 ss:$0x1], $0xffff  }
0x9a: {  	v32 =	vadd.f32 v55, v32;
	v49 =	vld.idx.msk [tilespmem:v18+s1+$0x20 ss:$0x1], $0xffff;
	s1 =	sshra.s32 s0, $0x2;
	s0 =	sadd.s32 $0x100, s0  }
0x9b: {  	_ =	sdelay $0x3  }
0x9c: {  	v50 =	vld.idx.msk [tilespmem:v18+s1+$0x30 ss:$0x1], $0xffff  }
0x9d: {  	v51 =	vld.idx.msk [tilespmem:v27+s1+$0x0 ss:$0x1], $0xffff  }
0x9e: {  	v52 =	vld.idx.msk [tilespmem:v27+s1+$0x10 ss:$0x1], $0xffff  }
0x9f: {  	v53 =	vld.idx.msk [tilespmem:v27+s1+$0x20 ss:$0x1], $0xffff;
	v29 =	vmul.f32 $1.999999960e-02, v29  }
0xa0: {  	v38 =	vadd.f32 v44, v38;
	v58 =	vld.idx.msk [tilespmem:v27+s1+$0x30 ss:$0x1], $0xffff;
	v30 =	vmul.f32 $1.999999960e-02, v30;
	v31 =	vmul.f32 $1.999999960e-02, v31  }
0xa1: {  	v39 =	vadd.f32 v45, v39;
	v59 =	vld.idx.msk [tilespmem:v25+s1+$0x0 ss:$0x1], $0xffff;
	v24 =	vmul.f32 $1.999999960e-02, v24;
	v26 =	vmul.f32 $1.999999960e-02, v26  }
0xa2: {  	v60 =	vld.idx.msk [tilespmem:v25+s1+$0x10 ss:$0x1], $0xffff;
	v28 =	vmul.f32 $1.999999960e-02, v28;
	v40 =	vadd.f32 v46, v40;
	v30 =	vmul.f32 v30, v29  }
0xa3: {  	v61 =	vld.idx.msk [tilespmem:v25+s1+$0x20 ss:$0x1], $0xffff;
	v42 =	vadd.f32 v47, v42;
	v29 =	vmul.f32 v31, v29;
	v43 =	vadd.f32 v48, v43  }
0xa4: {  	v62 =	vld.idx.msk [tilespmem:v25+s1+$0x30 ss:$0x1], $0xffff;
	v56 =	vmul.f32 $1.999999960e-02, v21;
	v41 =	vadd.f32 v49, v41;
	v30 =	vadd.f32 v16, v30  }
0xa5: {  	v63 =	vld.idx.msk [tilespmem:v18+s1+$0x0 ss:$0x1], $0xffff;
	v57 =	vmul.f32 $1.999999960e-02, v22;
	v48 =	vadd.f32 v16, v29;
	v36 =	vadd.f32 v50, v36  }
0xa6: {  	v19 =	vmul.f32 $1.999999960e-02, v19;
	v37 =	vadd.f32 v51, v37;
	v33 =	vadd.f32 v52, v33  }
0xa7: {  	v20 =	vmul.f32 $1.999999960e-02, v20;
	v34 =	vadd.f32 v53, v34;
	v27 =	vadd.f32 v58, v35  }
0xa8: {  	v47 =	vld.idx.msk [tilespmem:v18+s1+$0x10 ss:$0x1], $0xffff;
	v26 =	vmul.f32 v26, v24;
	v32 =	vadd.f32 v59, v32;
	v38 =	vadd.f32 v60, v38  }
0xa9: {  	v24 =	vmul.f32 v28, v24;
	v39 =	vadd.f32 v61, v39;
	v25 =	vadd.f32 v62, v40  }
0xaa: {  	v14 =	vmul.f32 $1.999999960e-02, v14;
	v50 =	vadd.f32 v63, v42;
	v52 =	vadd.f32 v13, v26  }
0xab: {  	v53 =	vadd.f32 v13, v24;
	v59 =	vmul.f32 $1.999999960e-02, v23;
	v62 =	vmul.f32 v20, v19  }
0xac: {  	v49 =	vld.idx.msk [tilespmem:v18+s1+$0x20 ss:$0x1], $0xffff;
	v63 =	vmul.f32 v14, v19;
	v17 =	vsub.f32 v30, v17;
	v15 =	vsub.f32 v48, v15  }
0xad: {  	v54 =	vadd.f32 v47, v43;
	v61 =	vmul.f32 v59, v56;
	v21 =	vmul.f32 $1.999999960e-02, v37  }
0xae: {  	v11 =	vsub.f32 v52, v11;
	v26 =	vmul.f32 $1.999999960e-02, v32;
	v29 =	vmul.f32 $1.999999960e-02, v50  }
0xaf: {  	v12 =	vsub.f32 v53, v12;
	v42 =	vmul.f32 $1.999999960e-02, v33;
	v44 =	vmul.f32 $1.999999960e-02, v38  }
0xb0: {  	v31 =	vadd.f32 v8, v63;
	v50 =	vmul.f32 $1.999999960e-02, v39;
	v53 =	vmul.f32 $1.999999960e-02, v27  }
0xb1: {  	v22 =	vld [tilespmem:s31+$0x1C0];
	v51 =	vmul.f32 v17, v17;
	v15 =	vmul.f32 v15, v15;
	v58 =	vadd.f32 v49, v41  }
0xb2: {  	v11 =	vmul.f32 v11, v11;
	v12 =	vmul.f32 v12, v12;
	v23 =	vadd.f32 v9, v61  }
0xb3: {  	v35 =	vmul.f32 v26, v21;
	v37 =	vmul.f32 v29, v21;
	v7 =	vsub.f32 v31, v7  }
0xb4: {  	v30 =	vld [tilespmem:s31+$0x21C0];
	v45 =	vmul.f32 $1.999999960e-02, v54;
	v48 =	vmul.f32 v44, v42;
	v16 =	vadd.f32 $1.000000000e+00, v51  }
0xb5: {  	v32 =	vld [tilespmem:s31+$0x41C0];
	v54 =	vmul.f32 $1.999999960e-02, v25;
	v11 =	vadd.f32 $1.000000000e+00, v11;
	v5 =	vsub.f32 v23, v5  }
0xb6: {  	v40 =	vadd.f32 v22, v35;
	v41 =	vadd.f32 v22, v37;
	v7 =	vmul.f32 v7, v7  }
0xb7: {  	v17 =	vmul.f32 $1.999999960e-02, v58;
	v55 =	vsub.f32 v16, v15;
	v15 =	vadd.f32 v8, v62  }
0xb8: {  	v21 =	vmul.f32 v54, v53;
	v16 =	vmul.f32 v57, v56;
	v11 =	vsub.f32 v11, v12  }
0xb9: {  	v51 =	vld [tilespmem:s31+$0x1F0];
	v57 =	vmul.f32 $1.999999960e-02, v36;
	v8 =	vsub.f32 v40, v30;
	v6 =	vsub.f32 v15, v6  }
0xba: {  	v13 =	vmax.f32 v55, $0.0e+00;
	v60 =	vadd.f32 v9, v16;
	v9 =	vsub.f32 v41, v32  }
0xbb: {  	v43 =	vld [tilespmem:s31+$0x1D0];
	v4 =	vadd.f32 v13, v4;
	v11 =	vmax.f32 v11, $0.0e+00;
	v6 =	vmul.f32 v6, v6  }
0xbc: {  	v46 =	vld [tilespmem:s31+$0x21D0];
	v8 =	vmul.f32 v8, v8;
	v10 =	vsub.f32 v60, v10;
	v3 =	vadd.f32 v11, v3  }
0xbd: {  	v49 =	vld [tilespmem:s31+$0x1E0];
	v9 =	vmul.f32 v9, v9;
	v11 =	vmul.f32 v45, v42;
	v6 =	vadd.f32 $1.000000000e+00, v6  }
0xbe: {  	v55 =	vld [tilespmem:s31+$0x21F0];
	v59 =	vadd.f32 v51, v21;
	v60 =	vmul.f32 v57, v53;
	v10 =	vmul.f32 v10, v10  }
0xbf: {  	v47 =	vld [tilespmem:s31+$0x41D0];
	v8 =	vadd.f32 $1.000000000e+00, v8;
	v6 =	vsub.f32 v6, v7;
	v7 =	vmul.f32 $1.999999960e-02, v34  }
0xc0: {  	v52 =	vld [tilespmem:s31+$0x21E0];
	v5 =	vmul.f32 v5, v5;
	v11 =	vadd.f32 v43, v11;
	v10 =	vadd.f32 $1.000000000e+00, v10  }
0xc1: {  	v58 =	vld [tilespmem:s31+$0x41F0];
	v61 =	vadd.f32 v51, v60;
	v8 =	vsub.f32 v8, v9;
	v14 =	vmul.f32 v50, v7  }
0xc2: {  	v56 =	vld [tilespmem:s31+$0x41E0];
	v5 =	vsub.f32 v10, v5;
	v10 =	vadd.f32 v43, v48  }
0xc3: {  	v12 =	vsub.f32 v59, v55;
	v7 =	vmul.f32 v17, v7;
	v14 =	vadd.f32 v49, v14  }
0xc4: {  	v11 =	vsub.f32 v11, v47;
	v10 =	vsub.f32 v10, v46  }
0xc5: {  	v7 =	vadd.f32 v49, v7;
	v14 =	vsub.f32 v14, v52  }
0xc6: {  	v62 =	vsub.f32 v61, v58;
	v12 =	vmul.f32 v12, v12;
	v10 =	vmul.f32 v10, v10  }
0xc7: {  	v11 =	vmul.f32 v11, v11;
	v7 =	vsub.f32 v7, v56;
	v14 =	vmul.f32 v14, v14  }
0xc8: {  	v9 =	vmul.f32 v62, v62;
	v12 =	vadd.f32 $1.000000000e+00, v12;
	v10 =	vadd.f32 $1.000000000e+00, v10  }
0xc9: {  	p1 =	sne.s32 s30, $0x40;
	v5 =	vmax.f32 v5, $0.0e+00;
	v7 =	vmul.f32 v7, v7;
	v63 =	vadd.f32 $1.000000000e+00, v14  }
.Ltmp2:
0xca: {  	v2 =	vadd.f32 v5, v2;
	v5 =	vmax.f32 v6, $0.0e+00;
	v6 =	vsub.f32 v10, v11;
	(pc) =	sbr.rel @p1 .LBB2_2-.Ltmp2, $4  }
0xcb: {  	v8 =	vmax.f32 v8, $0.0e+00;
	v9 =	vsub.f32 v12, v9;
	v7 =	vsub.f32 v63, v7  }
0xcc: {  	v4 =	vadd.f32 v8, v4;
	v1 =	vadd.f32 v5, v1;
	v5 =	vmax.f32 v6, $0.0e+00  }
0xcd: {  	v6 =	vmax.f32 v9, $0.0e+00;
	v3 =	vadd.f32 v5, v3;
	v5 =	vmax.f32 v7, $0.0e+00  }
0xce: {  	p0 =	por !p0, !p0;
	s31 =	smov.u32 s30;
	v1 =	vadd.f32 v6, v1;
	v2 =	vadd.f32 v5, v2  }
0xcf: {  	v0 =	vadd.f32 v3, v4;
	_ =	sdelay $0x1  }
0xd0: {  	v0 =	vadd.f32 v2, v0;
	_ =	sdelay $0x1  }
0xd1: {  	s29 =	sadd.s32 $0x1, s29;
	v0 =	vadd.f32 v1, v0  }
0xd2: {  	p0 =	sne.s32 s29, s12  }
.Ltmp3:
0xd3: {  	[tilespmem:$0x14580] =	vst v0;
	(pc) =	sbr.rel @p0 .LBB2_1-.Ltmp3, $4  }
0xd4: {  	[hbm4b:s11+s2] =	stream.linear.scatter [tilespmem:s28], [sflag:$0x4], $0x10, $0x38;
	[tilespmem:$0x14590] =	vst v63  }
0xd5: {  	_ =	swait.ge [sflag:s13], $0x10  }
0xd6: {  	[sflag:s13] =	ssyncset.done $0x0  }
0xd7: {  	[sflag:s13] =	ssyncadd.s32 $0xFFFFFFF0  }
0xd8: {  	_ =	sfence.sel $0x180000  }
0xd9: {  	[bflag:$0x0] =	sbarrier.arrive $0xFFFF  }
0xda: {  	_ =	strace $0x90000047  }
0xdb: {  	s0 =	stileid.u32;
	[bflag:$0x2] =	sbarrier.arrive $0xFFFF  }
0xdc: {  	p0 =	sne.s32 s0, $0x0;
	s0 =	rddreg [dreg:$0x4]  }
0xdd: {  	s0 =	sadd.s32 @!p0 $0x100000, s0  }
0xde: {  	[sflag:s0] =	ssyncadd.tile.s32 @!p0 $0x1;
	_ =	shalt  }
.Lfunc_end2:
_tile_overlayer_lowered:
.L_overlay_start_2:
0xdf: {  	(tag) =	ssettag $0x2  }
0xe0: {  	s0 =	rddreg [dreg:$0x0];
	s2 =	stileid.u32  }
0xe1: {  	s1 =	rddreg [dreg:$0x1];
	p0 =	sne.s32 s2, $0x0  }
0xe2: {  	s3 =	rddreg [dreg:$0x2];
	[bflag:$0x3] =	sbarrier.arrive $0xFFFF;
	s2 =	simm.s32 @!p0 $0x1C04  }
0xe3: {  	[timem:s3], [sflag:s2] =	dma.local @!p0 [hbm:s0], s1  }
0xe4: {  	s0 =	simm.s32 @!p0 $0x4  }
0xe5: {  	_ =	swait.ge @!p0 [sflag:s0], s1  }
0xe6: {  	s1 =	ssub.s32 @!p0 $0x0, s1;
	[sflag:s0] =	ssyncset.done @!p0 $0x0  }
0xe7: {  	[sflag:s0] =	ssyncadd.s32 @!p0 s1  }
0xe8: {  	[bflag:$0x3] =	sbarrier.arrive $0xFFFF  }
0xe9: {  	_ =	shalt  }

</sc_bundles>
